<compile_context>
chip_gen: v7x
topology: tpu7x:2x2x1
jax: 0.10.2.dev20260603
libtpu: 0.0.44.dev20260713+nightly
codegen_flags: <defaults>
</compile_context>

<pallas_src>
import functools

import numpy as np

import jax
import jax.numpy as jnp
from jax import lax
from jax.experimental import pallas as pl
from jax.experimental.pallas import tpu as pltpu
from jax.experimental.pallas import tpu_sc as plsc

G = 50
NPG = 100
K = 80
D = 128
EPG = 1600
LAMB = 1.0
NEG = 0.2
NW = 32
NN = NPG * NPG

_goff = np.arange(G, dtype=np.int32)[:, None] * K
_nrow = (_goff + np.repeat(np.arange(K, dtype=np.int32), K)[None, :]).reshape(-1)
_ncol = (_goff + np.tile(np.arange(K, dtype=np.int32), K)[None, :]).reshape(-1)
_NEI_CONST = np.stack([_nrow, _ncol])


@functools.cache
def _build_edge_scatter():
    mesh = plsc.VectorSubcoreMesh(core_axis_name="c", subcore_axis_name="s")
    return pl.kernel(
        _edge_scatter_body,
        out_type=[
            jax.ShapeDtypeStruct((G, NN), jnp.float32),
            jax.ShapeDtypeStruct((G, NN), jnp.float32),
        ],
        mesh=mesh,
        scratch_types=[
            pltpu.VMEM((EPG,), jnp.int32),
            pltpu.VMEM((EPG,), jnp.int32),
            pltpu.VMEM((EPG,), jnp.float32),
            pltpu.VMEM((NN,), jnp.float32),
            pltpu.VMEM((NN,), jnp.float32),
            pltpu.VMEM((EPG,), jnp.int32),
            pltpu.VMEM((EPG,), jnp.int32),
            pltpu.VMEM((EPG,), jnp.float32),
            pltpu.VMEM((NN,), jnp.float32),
            pltpu.VMEM((NN,), jnp.float32),
            pltpu.SemaphoreType.DMA,
            pltpu.SemaphoreType.DMA,
            pltpu.SemaphoreType.DMA,
        ],
        compiler_params=pltpu.CompilerParams(needs_layout_passes=False),
    )


def _edge_scatter_body(ei_hbm, attr_hbm, b_hbm, e_hbm,
                       rv1, cv1, av1, bl1, el1,
                       rv2, cv2, av2, bl2, el2,
                       sem1, sem2, semo):
    wid = lax.axis_index("s") * 2 + lax.axis_index("c")
    g1 = wid
    g2 = jnp.where(wid + NW < G, wid + NW, wid)

    def start_in(g, rv, cv, av, sem):
        return [
            pltpu.async_copy(ei_hbm.at[pl.ds(g * EPG, EPG)], rv, sem),
            pltpu.async_copy(ei_hbm.at[pl.ds(G * EPG + g * EPG, EPG)], cv, sem),
            pltpu.async_copy(attr_hbm.at[pl.ds(g * EPG, EPG)], av, sem),
        ]

    def zero_bufs(bl, el):
        z = jnp.zeros((16,), jnp.float32)

        def zbody(i, carry):
            bl[pl.ds(i * 16, 16)] = z
            el[pl.ds(i * 16, 16)] = z
            return carry

        lax.fori_loop(0, NN // 16, zbody, 0, unroll=8)

    def scatter(g, rv, cv, av, bl, el):
        base = g * NPG

        def ebody(i, carry):
            r = rv[pl.ds(i * 16, 16)] - base
            c = cv[pl.ds(i * 16, 16)] - base
            a = av[pl.ds(i * 16, 16)]
            plsc.store_scatter(bl, [c * NPG + r], -a)
            plsc.store_scatter(el, [r * NPG + c], a)
            return carry

        lax.fori_loop(0, EPG // 16, ebody, 0, unroll=4)

    h1 = start_in(g1, rv1, cv1, av1, sem1)
    h2 = start_in(g2, rv2, cv2, av2, sem2)
    zero_bufs(bl1, el1)
    for h in h1:
        h.wait()
    scatter(g1, rv1, cv1, av1, bl1, el1)
    o1 = pltpu.async_copy(bl1, b_hbm.at[g1], semo)
    o2 = pltpu.async_copy(el1, e_hbm.at[g1], semo)
    zero_bufs(bl2, el2)
    for h in h2:
        h.wait()
    scatter(g2, rv2, cv2, av2, bl2, el2)
    o3 = pltpu.async_copy(bl2, b_hbm.at[g2], semo)
    o4 = pltpu.async_copy(el2, e_hbm.at[g2], semo)
    for o in (o1, o2, o3, o4):
        o.wait()


def _eye(n, m):
    i = lax.broadcasted_iota(jnp.int32, (n, m), 0)
    j = lax.broadcasted_iota(jnp.int32, (n, m), 1)
    return jnp.where(i == j, 1.0, 0.0).astype(jnp.float32)


def _split_hi(v):
    hi = v.astype(jnp.bfloat16).astype(jnp.float32)
    return hi, v - hi


def _dot2l(a_exact, b):
    f32 = jnp.float32
    bh, bl = _split_hi(b)
    return (jnp.dot(a_exact, bh, preferred_element_type=f32)
            + jnp.dot(a_exact, bl, preferred_element_type=f32))


def _dot2r(a, b_exact):
    f32 = jnp.float32
    ah, al = _split_hi(a)
    return (jnp.dot(ah, b_exact, preferred_element_type=f32)
            + jnp.dot(al, b_exact, preferred_element_type=f32))


def _dot3(a, b):
    f32 = jnp.float32
    ah, al = _split_hi(a)
    bh, bl = _split_hi(b)
    return (jnp.dot(ah, bh, preferred_element_type=f32)
            + (jnp.dot(ah, bl, preferred_element_type=f32)
               + jnp.dot(al, bh, preferred_element_type=f32)))


def _fused_body(b_ref, e_ref, x_ref, a12_ref,
                xnew_ref, attr_ref, ecs_ref, ab_ref):
    f32 = jnp.float32
    HI = lax.Precision.HIGHEST

    z100 = jnp.zeros((NPG, NPG), f32)

    def score_pair(i, msum_col):
        g = 2 * i
        bd = jnp.concatenate(
            [jnp.concatenate([b_ref[g], z100], axis=1),
             jnp.concatenate([z100, b_ref[g + 1]], axis=1)], axis=0)
        eg2 = e_ref[pl.ds(g * NPG, 2 * NPG), :]
        xg2 = x_ref[pl.ds(g * NPG, 2 * NPG), :]
        deg_col = jnp.sum(eg2, axis=1, keepdims=True)
        safe = jnp.where(deg_col > 0, deg_col, 1.0)
        dis_col = jnp.where(deg_col > 0, lax.rsqrt(safe), 0.0)
        t = _dot3(bd, xg2 * dis_col)
        info = t * dis_col + xg2
        score_col = jnp.sum(jnp.abs(info), axis=1, keepdims=True)
        return msum_col + jnp.concatenate(
            [score_col[:NPG] + score_col[NPG:],
             jnp.zeros((128 - NPG, 1), f32)], axis=0)

    msum_col = lax.fori_loop(0, G // 2, score_pair, jnp.zeros((128, 1), f32),
                             unroll=5)

    m_col = msum_col * (1.0 / G)
    eye128 = _eye(128, 128)
    m_row = jnp.dot(jnp.ones((1, 128), f32), eye128 * m_col,
                    preferred_element_type=f32, precision=HI)
    ii = lax.broadcasted_iota(jnp.int32, (128, 128), 0)
    jj = lax.broadcasted_iota(jnp.int32, (128, 128), 1)
    offd = ii != jj
    beats_i = ((m_row > m_col) | ((m_row == m_col) & (jj < ii))) & offd
    rank_col = jnp.sum(beats_i.astype(f32), axis=1, keepdims=True)
    beats_j = ((m_col > m_row) | ((m_col == m_row) & (ii < jj))) & offd
    rank_row = jnp.sum(beats_j.astype(f32), axis=0, keepdims=True)
    k_col = lax.broadcasted_iota(jnp.int32, (K, 128), 0).astype(f32)
    k_row = lax.broadcasted_iota(jnp.int32, (128, K), 1).astype(f32)
    p100 = jnp.where(rank_row[:, :NPG] == k_col[:, :NPG], 1.0, 0.0)
    pt100 = jnp.where(rank_col[:NPG] == k_row[:NPG], 1.0, 0.0)
    eye80 = _eye(K, K)
    ones_row80 = jnp.ones((1, K), f32)

    ecs_ref[...] = _dot2r(e_ref[...], pt100)
    ab_ref[...] = _dot3(x_ref[...], a12_ref[...])

    p2 = jnp.concatenate(
        [jnp.concatenate([p100, jnp.zeros((K, NPG), f32)], axis=1),
         jnp.concatenate([jnp.zeros((K, NPG), f32), p100], axis=1)],
        axis=0)

    def pool_pair(i, carry):
        g = 2 * i
        rhs = jnp.concatenate(
            [x_ref[pl.ds(g * NPG, 2 * NPG), :],
             ecs_ref[pl.ds(g * NPG, 2 * NPG), :],
             ab_ref[pl.ds(g * NPG, 2 * NPG), :]], axis=1)
        m1 = _dot2l(p2, rhs)
        x_new = m1[:, :D]
        e_sel = m1[:, D:D + K]
        a_col = m1[:, D + K:D + K + 1]
        b2 = m1[:, D + K + 1:D + K + 2]
        brv = _dot2l(ones_row80,
                     jnp.concatenate([eye80 * b2[:K], eye80 * b2[K:]],
                                     axis=1))
        b_bc = jnp.concatenate(
            [jnp.broadcast_to(brv[:, :K], (K, K)),
             jnp.broadcast_to(brv[:, K:], (K, K))], axis=0)
        w = a_col + b_bc
        w = jnp.where(w > 0, w, NEG * w)
        wfull = w + LAMB * e_sel
        mx = jnp.max(wfull, axis=1, keepdims=True)
        ew = jnp.exp(wfull - mx)
        ssum = jnp.sum(ew, axis=1, keepdims=True)
        xnew_ref[pl.ds(g, 2)] = x_new.reshape(2, K, D)
        attr_ref[pl.ds(g, 2)] = (ew / (ssum + 1e-16)).reshape(2, K, K)
        return carry

    lax.fori_loop(0, G // 2, pool_pair, 0, unroll=5)


def kernel(x, edge_index, edge_attr, batch, att):
    b_mat, e_mat = _build_edge_scatter()(edge_index.astype(jnp.int32).reshape(-1),
                                         edge_attr.astype(jnp.float32))
    b3 = b_mat.reshape(G, NPG, NPG)
    e3 = e_mat.reshape(G, NPG, NPG)
    x3 = x.reshape(G, NPG, D)
    att12 = att.reshape(2, D).T
    e_vert = e_mat.reshape(G * NPG, NPG)
    x_new3, attr3 = pl.pallas_call(
        _fused_body,
        out_shape=[
            jax.ShapeDtypeStruct((G, K, D), jnp.float32),
            jax.ShapeDtypeStruct((G, K, K), jnp.float32),
        ],
        scratch_shapes=[
            pltpu.VMEM((G * NPG, K), jnp.float32),
            pltpu.VMEM((G * NPG, 2), jnp.float32),
        ],
    )(b3, e_vert, x, att12)

    x_new = x_new3.reshape(G * K, D)
    new_attr = attr3.reshape(G * K * K)
    new_edge_index = jnp.asarray(_NEI_CONST)
    new_batch = jnp.repeat(batch[:: NPG], K)
    return x_new, new_edge_index, new_attr, new_batch

# --- scband reference (transcript-rebuilt; emitter-appended) ---
"""Pipeline reference for scband-hgpslpool-64192581206186 (READ-ONLY COPY).

The authoritative reference and input builder live on the scoring server;
editing this copy changes nothing except your own understanding.
"""

import jax, jax.numpy as jnp
import numpy as np

G = 50
NPG = 100
K = 80
D = 128
EPG = 1600
LAMB = 1.0
NEG = 0.2

def setup_inputs():
    rng = np.random.RandomState(0)
    N = G * NPG
    x = rng.randn(N, D).astype(np.float32)
    rows = []
    cols = []
    for g in range(G):
        e = rng.choice(NPG * (NPG - 1), EPG, replace=False)
        r = e // (NPG - 1)
        c = e % (NPG - 1)
        c = c + (c >= r)
        rows.append(g * NPG + r)
        cols.append(g * NPG + c)
    edge_index = np.stack([np.concatenate(rows), np.concatenate(cols)]).astype(np.int64)
    edge_attr = rng.rand(edge_index.shape[1]).astype(np.float32)
    batch = np.repeat(np.arange(G), NPG).astype(np.int64)
    att = (rng.randn(1, 2 * D) * np.sqrt(6.0 / (1 + 2 * D))).astype(np.float32)
    return {"x": jnp.asarray(x), "edge_index": jnp.asarray(edge_index), "edge_attr": jnp.asarray(edge_attr), "batch": jnp.asarray(batch), "att": jnp.asarray(att)}

def _segment_softmax(w, idx, num):
    m = jax.ops.segment_max(w, idx, num_segments=num)
    e = jnp.exp(w - m[idx])
    s = jax.ops.segment_sum(e, idx, num_segments=num)
    return e / (s[idx] + 1e-16)

def reference(x, edge_index, edge_attr, batch, att):
    N = x.shape[0]
    row, col = edge_index[0], edge_index[1]
    # NodeInformationScore: out = x - D^-1/2 W D^-1/2 x (self loops weight 0 -> norm 1)
    deg = jax.ops.segment_sum(edge_attr, row, num_segments=N)
    dis = jnp.where(deg > 0, 1.0 / jnp.sqrt(jnp.where(deg > 0, deg, 1.0)), 0.0)
    norm = -dis[row] * edge_attr * dis[col]
    info = jax.ops.segment_sum(norm[:, None] * x[row], col, num_segments=N) + x
    score = jnp.sum(jnp.abs(info), axis=1)
    msog = score.reshape(G, NPG).T.mean(-1)
    sdk = jnp.sqrt(jnp.float32(D))
    score0 = jnp.ones((NPG,), jnp.float32) / NPG
    msog = jax.nn.softmax(msog / sdk) * 0.1 + score0 * 0.9
    # topk per graph (identical per-graph scores by construction of my_score)
    top_idx = jax.lax.top_k(msog, K)[1]
    perm = (jnp.arange(G)[:, None] * NPG + top_idx[None, :]).reshape(-1)
    x_new = x[perm]
    new_batch = batch[perm]
    Nk = G * K
    # filter_adj: keep edges with both endpoints retained, relabel
    mapping = jnp.full((N,), -1, jnp.int32).at[perm].set(jnp.arange(Nk, dtype=jnp.int32))
    emask = (mapping[row] >= 0) & (mapping[col] >= 0)
    ir = jnp.where(emask, mapping[row], 0)
    ic = jnp.where(emask, mapping[col], 0)
    iattr = jnp.where(emask, edge_attr, 0.0)
    # dense block-diagonal adjacency -> all intra-graph pairs in row-major order
    base_r = jnp.repeat(jnp.arange(K), K)
    base_c = jnp.tile(jnp.arange(K), K)
    off = jnp.arange(G)[:, None] * K
    nrow = (off + base_r[None, :]).reshape(-1)
    ncol = (off + base_c[None, :]).reshape(-1)
    w = (jnp.concatenate([x_new[nrow], x_new[ncol]], axis=1) * att).sum(-1)
    w = jnp.where(w > 0, w, NEG * w)
    adj = jnp.zeros((Nk, Nk), jnp.float32).at[nrow, ncol].set(w)
    adj = adj.at[ir, ic].add(iattr * LAMB)
    w2 = adj[nrow, ncol]
    new_attr = _segment_softmax(w2, nrow, Nk)
    new_edge_index = jnp.stack([nrow, ncol])
    return x_new, new_edge_index, new_attr, new_batch

if __name__ == "__main__":
    import jax
    _d = setup_inputs()
    print(jax.jit(kernel)(*tuple(_d.values())))

</pallas_src>

<mosaic_0001>
#map = affine_map<(d0, d1) -> (0)>
#map1 = affine_map<(d0, d1) -> (0, 0)>
module attributes {stable_mosaic.version = 14 : i64} {
  func.func @_edge_scatter_body(%arg0: i32, %arg1: i32, %arg2: memref<160000xi32, #tpu.memory_space<hbm>>, %arg3: memref<80000xf32, #tpu.memory_space<hbm>>, %arg4: memref<50x10000xf32, #tpu.memory_space<hbm>>, %arg5: memref<50x10000xf32, #tpu.memory_space<hbm>>, %arg6: memref<1600xi32, #tpu.memory_space<vmem>>, %arg7: memref<1600xi32, #tpu.memory_space<vmem>>, %arg8: memref<1600xf32, #tpu.memory_space<vmem>>, %arg9: memref<10000xf32, #tpu.memory_space<vmem>>, %arg10: memref<10000xf32, #tpu.memory_space<vmem>>, %arg11: memref<1600xi32, #tpu.memory_space<vmem>>, %arg12: memref<1600xi32, #tpu.memory_space<vmem>>, %arg13: memref<1600xf32, #tpu.memory_space<vmem>>, %arg14: memref<10000xf32, #tpu.memory_space<vmem>>, %arg15: memref<10000xf32, #tpu.memory_space<vmem>>, %arg16: memref<!tpu.dma_semaphore, #tpu.memory_space<semaphore_mem>>, %arg17: memref<!tpu.dma_semaphore, #tpu.memory_space<semaphore_mem>>, %arg18: memref<!tpu.dma_semaphore, #tpu.memory_space<semaphore_mem>>) attributes {dimension_semantics = [#tpu.dimension_semantics<core_parallel>, #tpu.dimension_semantics<subcore_parallel>], iteration_bounds = array<i64: 2, 16>, scalar_prefetch = 0 : i64, scratch_operands = 13 : i64, tpu.core_type = #tpu.core_type<sc_vector_subcore>, window_params = [{transform_indices = #map}, {transform_indices = #map}, {transform_indices = #map1}, {transform_indices = #map1}]} {
    %mul3A = arith.constant 2 : i32
    %mul3A_0 = arith.muli %arg1, %mul3A : i32
    %add3A = arith.addi %mul3A_0, %arg0 : i32
    %add3A_1 = arith.constant 32 : i32
    %add3A_2 = arith.addi %add3A, %add3A_1 : i32
    %lt3A = arith.constant 50 : i32
    %lt3A_3 = arith.cmpi slt, %add3A_2, %lt3A : i32
    %add3A_4 = arith.constant 32 : i32
    %add3A_5 = arith.addi %add3A, %add3A_4 : i32
    %select_n3A = arith.select %lt3A_3, %add3A_5, %add3A : i32
    %mul3A_6 = arith.constant 1600 : i32
    %mul3A_7 = arith.muli %add3A, %mul3A_6 : i32
    %dma_start3A = tpu.memref_slice %arg2[%mul3A_7] : memref<160000xi32, #tpu.memory_space<hbm>> -> memref<1600xi32, #tpu.memory_space<hbm>>
    %dma_start3A_8 = tpu.memref_slice %arg2[%mul3A_7] : memref<160000xi32, #tpu.memory_space<hbm>> -> memref<1600xi32, #tpu.memory_space<hbm>>
    tpu.enqueue_dma source(%dma_start3A_8 : memref<1600xi32, #tpu.memory_space<hbm>>) target(%arg6 : memref<1600xi32, #tpu.memory_space<vmem>>) target_semaphore(%arg16 : memref<!tpu.dma_semaphore, #tpu.memory_space<semaphore_mem>>)
    %mul3A_9 = arith.constant 1600 : i32
    %mul3A_10 = arith.muli %add3A, %mul3A_9 : i32
    %add3A_11 = arith.constant 80000 : i32
    %add3A_12 = arith.addi %add3A_11, %mul3A_10 : i32
    %dma_start3A_13 = tpu.memref_slice %arg2[%add3A_12] : memref<160000xi32, #tpu.memory_space<hbm>> -> memref<1600xi32, #tpu.memory_space<hbm>>
    %dma_start3A_14 = tpu.memref_slice %arg2[%add3A_12] : memref<160000xi32, #tpu.memory_space<hbm>> -> memref<1600xi32, #tpu.memory_space<hbm>>
    tpu.enqueue_dma source(%dma_start3A_14 : memref<1600xi32, #tpu.memory_space<hbm>>) target(%arg7 : memref<1600xi32, #tpu.memory_space<vmem>>) target_semaphore(%arg16 : memref<!tpu.dma_semaphore, #tpu.memory_space<semaphore_mem>>)
    %mul3A_15 = arith.constant 1600 : i32
    %mul3A_16 = arith.muli %add3A, %mul3A_15 : i32
    %dma_start3A_17 = tpu.memref_slice %arg3[%mul3A_16] : memref<80000xf32, #tpu.memory_space<hbm>> -> memref<1600xf32, #tpu.memory_space<hbm>>
    %dma_start3A_18 = tpu.memref_slice %arg3[%mul3A_16] : memref<80000xf32, #tpu.memory_space<hbm>> -> memref<1600xf32, #tpu.memory_space<hbm>>
    tpu.enqueue_dma source(%dma_start3A_18 : memref<1600xf32, #tpu.memory_space<hbm>>) target(%arg8 : memref<1600xf32, #tpu.memory_space<vmem>>) target_semaphore(%arg16 : memref<!tpu.dma_semaphore, #tpu.memory_space<semaphore_mem>>)
    %mul3A_19 = arith.constant 1600 : i32
    %mul3A_20 = arith.muli %select_n3A, %mul3A_19 : i32
    %dma_start3A_21 = tpu.memref_slice %arg2[%mul3A_20] : memref<160000xi32, #tpu.memory_space<hbm>> -> memref<1600xi32, #tpu.memory_space<hbm>>
    %dma_start3A_22 = tpu.memref_slice %arg2[%mul3A_20] : memref<160000xi32, #tpu.memory_space<hbm>> -> memref<1600xi32, #tpu.memory_space<hbm>>
    tpu.enqueue_dma source(%dma_start3A_22 : memref<1600xi32, #tpu.memory_space<hbm>>) target(%arg11 : memref<1600xi32, #tpu.memory_space<vmem>>) target_semaphore(%arg17 : memref<!tpu.dma_semaphore, #tpu.memory_space<semaphore_mem>>)
    %mul3A_23 = arith.constant 1600 : i32
    %mul3A_24 = arith.muli %select_n3A, %mul3A_23 : i32
    %add3A_25 = arith.constant 80000 : i32
    %add3A_26 = arith.addi %add3A_25, %mul3A_24 : i32
    %dma_start3A_27 = tpu.memref_slice %arg2[%add3A_26] : memref<160000xi32, #tpu.memory_space<hbm>> -> memref<1600xi32, #tpu.memory_space<hbm>>
    %dma_start3A_28 = tpu.memref_slice %arg2[%add3A_26] : memref<160000xi32, #tpu.memory_space<hbm>> -> memref<1600xi32, #tpu.memory_space<hbm>>
    tpu.enqueue_dma source(%dma_start3A_28 : memref<1600xi32, #tpu.memory_space<hbm>>) target(%arg12 : memref<1600xi32, #tpu.memory_space<vmem>>) target_semaphore(%arg17 : memref<!tpu.dma_semaphore, #tpu.memory_space<semaphore_mem>>)
    %mul3A_29 = arith.constant 1600 : i32
    %mul3A_30 = arith.muli %select_n3A, %mul3A_29 : i32
    %dma_start3A_31 = tpu.memref_slice %arg3[%mul3A_30] : memref<80000xf32, #tpu.memory_space<hbm>> -> memref<1600xf32, #tpu.memory_space<hbm>>
    %dma_start3A_32 = tpu.memref_slice %arg3[%mul3A_30] : memref<80000xf32, #tpu.memory_space<hbm>> -> memref<1600xf32, #tpu.memory_space<hbm>>
    tpu.enqueue_dma source(%dma_start3A_32 : memref<1600xf32, #tpu.memory_space<hbm>>) target(%arg13 : memref<1600xf32, #tpu.memory_space<vmem>>) target_semaphore(%arg17 : memref<!tpu.dma_semaphore, #tpu.memory_space<semaphore_mem>>)
    %broadcast_in_dim3A = arith.constant 0.000000e+00 : f32
    %broadcast_in_dim3A_33 = vector.broadcast %broadcast_in_dim3A : f32 to vector<16xf32>
    %scan3A = arith.constant 0 : i32
    %scan3A_34 = arith.constant 0 : i32
    %scan3A_35 = arith.constant 624 : i32
    %scan3A_36 = arith.addi %scan3A_34, %scan3A_35 : i32
    %scan3A_37 = arith.constant 8 : i32
    scf.for %scan3A_141 = %scan3A_34 to %scan3A_36 step %scan3A_37  : i32 {
      %mul3A_142 = arith.constant 16 : i32
      %mul3A_143 = arith.muli %scan3A_141, %mul3A_142 : i32
      %swap3A_144 = arith.index_cast %mul3A_143 : i32 to index
      %swap3A_145 = tpu.vector_load %arg9[%swap3A_144] {strides = array<i32>} : memref<10000xf32, #tpu.memory_space<vmem>>, vector<16xf32>,
      tpu.vector_store %arg9[%swap3A_144], %broadcast_in_dim3A_33 {strides = array<i32>} : memref<10000xf32, #tpu.memory_space<vmem>>, vector<16xf32>,
      %mul3A_146 = arith.constant 16 : i32
      %mul3A_147 = arith.muli %scan3A_141, %mul3A_146 : i32
      %swap3A_148 = arith.index_cast %mul3A_147 : i32 to index
      %swap3A_149 = tpu.vector_load %arg10[%swap3A_148] {strides = array<i32>} : memref<10000xf32, #tpu.memory_space<vmem>>, vector<16xf32>,
      tpu.vector_store %arg10[%swap3A_148], %broadcast_in_dim3A_33 {strides = array<i32>} : memref<10000xf32, #tpu.memory_space<vmem>>, vector<16xf32>,
      %scan3A_150 = arith.constant 1 : i32
      %scan3A_151 = arith.addi %scan3A_141, %scan3A_150 : i32
      %mul3A_152 = arith.constant 16 : i32
      %mul3A_153 = arith.muli %scan3A_151, %mul3A_152 : i32
      %swap3A_154 = arith.index_cast %mul3A_153 : i32 to index
      %swap3A_155 = tpu.vector_load %arg9[%swap3A_154] {strides = array<i32>} : memref<10000xf32, #tpu.memory_space<vmem>>, vector<16xf32>,
      tpu.vector_store %arg9[%swap3A_154], %broadcast_in_dim3A_33 {strides = array<i32>} : memref<10000xf32, #tpu.memory_space<vmem>>, vector<16xf32>,
      %mul3A_156 = arith.constant 16 : i32
      %mul3A_157 = arith.muli %scan3A_151, %mul3A_156 : i32
      %swap3A_158 = arith.index_cast %mul3A_157 : i32 to index
      %swap3A_159 = tpu.vector_load %arg10[%swap3A_158] {strides = array<i32>} : memref<10000xf32, #tpu.memory_space<vmem>>, vector<16xf32>,
      tpu.vector_store %arg10[%swap3A_158], %broadcast_in_dim3A_33 {strides = array<i32>} : memref<10000xf32, #tpu.memory_space<vmem>>, vector<16xf32>,
      %scan3A_160 = arith.constant 2 : i32
      %scan3A_161 = arith.addi %scan3A_141, %scan3A_160 : i32
      %mul3A_162 = arith.constant 16 : i32
      %mul3A_163 = arith.muli %scan3A_161, %mul3A_162 : i32
      %swap3A_164 = arith.index_cast %mul3A_163 : i32 to index
      %swap3A_165 = tpu.vector_load %arg9[%swap3A_164] {strides = array<i32>} : memref<10000xf32, #tpu.memory_space<vmem>>, vector<16xf32>,
      tpu.vector_store %arg9[%swap3A_164], %broadcast_in_dim3A_33 {strides = array<i32>} : memref<10000xf32, #tpu.memory_space<vmem>>, vector<16xf32>,
      %mul3A_166 = arith.constant 16 : i32
      %mul3A_167 = arith.muli %scan3A_161, %mul3A_166 : i32
      %swap3A_168 = arith.index_cast %mul3A_167 : i32 to index
      %swap3A_169 = tpu.vector_load %arg10[%swap3A_168] {strides = array<i32>} : memref<10000xf32, #tpu.memory_space<vmem>>, vector<16xf32>,
      tpu.vector_store %arg10[%swap3A_168], %broadcast_in_dim3A_33 {strides = array<i32>} : memref<10000xf32, #tpu.memory_space<vmem>>, vector<16xf32>,
      %scan3A_170 = arith.constant 3 : i32
      %scan3A_171 = arith.addi %scan3A_141, %scan3A_170 : i32
      %mul3A_172 = arith.constant 16 : i32
      %mul3A_173 = arith.muli %scan3A_171, %mul3A_172 : i32
      %swap3A_174 = arith.index_cast %mul3A_173 : i32 to index
      %swap3A_175 = tpu.vector_load %arg9[%swap3A_174] {strides = array<i32>} : memref<10000xf32, #tpu.memory_space<vmem>>, vector<16xf32>,
      tpu.vector_store %arg9[%swap3A_174], %broadcast_in_dim3A_33 {strides = array<i32>} : memref<10000xf32, #tpu.memory_space<vmem>>, vector<16xf32>,
      %mul3A_176 = arith.constant 16 : i32
      %mul3A_177 = arith.muli %scan3A_171, %mul3A_176 : i32
      %swap3A_178 = arith.index_cast %mul3A_177 : i32 to index
      %swap3A_179 = tpu.vector_load %arg10[%swap3A_178] {strides = array<i32>} : memref<10000xf32, #tpu.memory_space<vmem>>, vector<16xf32>,
      tpu.vector_store %arg10[%swap3A_178], %broadcast_in_dim3A_33 {strides = array<i32>} : memref<10000xf32, #tpu.memory_space<vmem>>, vector<16xf32>,
      %scan3A_180 = arith.constant 4 : i32
      %scan3A_181 = arith.addi %scan3A_141, %scan3A_180 : i32
      %mul3A_182 = arith.constant 16 : i32
      %mul3A_183 = arith.muli %scan3A_181, %mul3A_182 : i32
      %swap3A_184 = arith.index_cast %mul3A_183 : i32 to index
      %swap3A_185 = tpu.vector_load %arg9[%swap3A_184] {strides = array<i32>} : memref<10000xf32, #tpu.memory_space<vmem>>, vector<16xf32>,
      tpu.vector_store %arg9[%swap3A_184], %broadcast_in_dim3A_33 {strides = array<i32>} : memref<10000xf32, #tpu.memory_space<vmem>>, vector<16xf32>,
      %mul3A_186 = arith.constant 16 : i32
      %mul3A_187 = arith.muli %scan3A_181, %mul3A_186 : i32
      %swap3A_188 = arith.index_cast %mul3A_187 : i32 to index
      %swap3A_189 = tpu.vector_load %arg10[%swap3A_188] {strides = array<i32>} : memref<10000xf32, #tpu.memory_space<vmem>>, vector<16xf32>,
      tpu.vector_store %arg10[%swap3A_188], %broadcast_in_dim3A_33 {strides = array<i32>} : memref<10000xf32, #tpu.memory_space<vmem>>, vector<16xf32>,
      %scan3A_190 = arith.constant 5 : i32
      %scan3A_191 = arith.addi %scan3A_141, %scan3A_190 : i32
      %mul3A_192 = arith.constant 16 : i32
      %mul3A_193 = arith.muli %scan3A_191, %mul3A_192 : i32
      %swap3A_194 = arith.index_cast %mul3A_193 : i32 to index
      %swap3A_195 = tpu.vector_load %arg9[%swap3A_194] {strides = array<i32>} : memref<10000xf32, #tpu.memory_space<vmem>>, vector<16xf32>,
      tpu.vector_store %arg9[%swap3A_194], %broadcast_in_dim3A_33 {strides = array<i32>} : memref<10000xf32, #tpu.memory_space<vmem>>, vector<16xf32>,
      %mul3A_196 = arith.constant 16 : i32
      %mul3A_197 = arith.muli %scan3A_191, %mul3A_196 : i32
      %swap3A_198 = arith.index_cast %mul3A_197 : i32 to index
      %swap3A_199 = tpu.vector_load %arg10[%swap3A_198] {strides = array<i32>} : memref<10000xf32, #tpu.memory_space<vmem>>, vector<16xf32>,
      tpu.vector_store %arg10[%swap3A_198], %broadcast_in_dim3A_33 {strides = array<i32>} : memref<10000xf32, #tpu.memory_space<vmem>>, vector<16xf32>,
      %scan3A_200 = arith.constant 6 : i32
      %scan3A_201 = arith.addi %scan3A_141, %scan3A_200 : i32
      %mul3A_202 = arith.constant 16 : i32
      %mul3A_203 = arith.muli %scan3A_201, %mul3A_202 : i32
      %swap3A_204 = arith.index_cast %mul3A_203 : i32 to index
      %swap3A_205 = tpu.vector_load %arg9[%swap3A_204] {strides = array<i32>} : memref<10000xf32, #tpu.memory_space<vmem>>, vector<16xf32>,
      tpu.vector_store %arg9[%swap3A_204], %broadcast_in_dim3A_33 {strides = array<i32>} : memref<10000xf32, #tpu.memory_space<vmem>>, vector<16xf32>,
      %mul3A_206 = arith.constant 16 : i32
      %mul3A_207 = arith.muli %scan3A_201, %mul3A_206 : i32
      %swap3A_208 = arith.index_cast %mul3A_207 : i32 to index
      %swap3A_209 = tpu.vector_load %arg10[%swap3A_208] {strides = array<i32>} : memref<10000xf32, #tpu.memory_space<vmem>>, vector<16xf32>,
      tpu.vector_store %arg10[%swap3A_208], %broadcast_in_dim3A_33 {strides = array<i32>} : memref<10000xf32, #tpu.memory_space<vmem>>, vector<16xf32>,
      %scan3A_210 = arith.constant 7 : i32
      %scan3A_211 = arith.addi %scan3A_141, %scan3A_210 : i32
      %mul3A_212 = arith.constant 16 : i32
      %mul3A_213 = arith.muli %scan3A_211, %mul3A_212 : i32
      %swap3A_214 = arith.index_cast %mul3A_213 : i32 to index
      %swap3A_215 = tpu.vector_load %arg9[%swap3A_214] {strides = array<i32>} : memref<10000xf32, #tpu.memory_space<vmem>>, vector<16xf32>,
      tpu.vector_store %arg9[%swap3A_214], %broadcast_in_dim3A_33 {strides = array<i32>} : memref<10000xf32, #tpu.memory_space<vmem>>, vector<16xf32>,
      %mul3A_216 = arith.constant 16 : i32
      %mul3A_217 = arith.muli %scan3A_211, %mul3A_216 : i32
      %swap3A_218 = arith.index_cast %mul3A_217 : i32 to index
      %swap3A_219 = tpu.vector_load %arg10[%swap3A_218] {strides = array<i32>} : memref<10000xf32, #tpu.memory_space<vmem>>, vector<16xf32>,
      tpu.vector_store %arg10[%swap3A_218], %broadcast_in_dim3A_33 {strides = array<i32>} : memref<10000xf32, #tpu.memory_space<vmem>>, vector<16xf32>,
    }
    %scan3A_38 = arith.constant 624 : i32
    %scan3A_39 = arith.addi %scan3A_34, %scan3A_38 : i32
    %mul3A_40 = arith.constant 16 : i32
    %mul3A_41 = arith.muli %scan3A_39, %mul3A_40 : i32
    %swap3A = arith.index_cast %mul3A_41 : i32 to index
    %swap3A_42 = tpu.vector_load %arg9[%swap3A] {strides = array<i32>} : memref<10000xf32, #tpu.memory_space<vmem>>, vector<16xf32>,
    tpu.vector_store %arg9[%swap3A], %broadcast_in_dim3A_33 {strides = array<i32>} : memref<10000xf32, #tpu.memory_space<vmem>>, vector<16xf32>,
    %mul3A_43 = arith.constant 16 : i32
    %mul3A_44 = arith.muli %scan3A_39, %mul3A_43 : i32
    %swap3A_45 = arith.index_cast %mul3A_44 : i32 to index
    %swap3A_46 = tpu.vector_load %arg10[%swap3A_45] {strides = array<i32>} : memref<10000xf32, #tpu.memory_space<vmem>>, vector<16xf32>,
    tpu.vector_store %arg10[%swap3A_45], %broadcast_in_dim3A_33 {strides = array<i32>} : memref<10000xf32, #tpu.memory_space<vmem>>, vector<16xf32>,
    %scan3A_47 = arith.constant 625 : i32
    %dma_wait3A = tpu.memref_slice %arg2[%mul3A_7] : memref<160000xi32, #tpu.memory_space<hbm>> -> memref<1600xi32, #tpu.memory_space<hbm>>
    %dma_wait3A_48 = tpu.memref_slice %arg2[%mul3A_7] : memref<160000xi32, #tpu.memory_space<hbm>> -> memref<1600xi32, #tpu.memory_space<hbm>>
    tpu.wait_dma2 semaphore(%arg16 : memref<!tpu.dma_semaphore, #tpu.memory_space<semaphore_mem>>) src(%dma_wait3A_48 : memref<1600xi32, #tpu.memory_space<hbm>>) dst(%arg6 : memref<1600xi32, #tpu.memory_space<vmem>>)
    %dma_wait3A_49 = tpu.memref_slice %arg2[%add3A_12] : memref<160000xi32, #tpu.memory_space<hbm>> -> memref<1600xi32, #tpu.memory_space<hbm>>
    %dma_wait3A_50 = tpu.memref_slice %arg2[%add3A_12] : memref<160000xi32, #tpu.memory_space<hbm>> -> memref<1600xi32, #tpu.memory_space<hbm>>
    tpu.wait_dma2 semaphore(%arg16 : memref<!tpu.dma_semaphore, #tpu.memory_space<semaphore_mem>>) src(%dma_wait3A_50 : memref<1600xi32, #tpu.memory_space<hbm>>) dst(%arg7 : memref<1600xi32, #tpu.memory_space<vmem>>)
    %dma_wait3A_51 = tpu.memref_slice %arg3[%mul3A_16] : memref<80000xf32, #tpu.memory_space<hbm>> -> memref<1600xf32, #tpu.memory_space<hbm>>
    %dma_wait3A_52 = tpu.memref_slice %arg3[%mul3A_16] : memref<80000xf32, #tpu.memory_space<hbm>> -> memref<1600xf32, #tpu.memory_space<hbm>>
    tpu.wait_dma2 semaphore(%arg16 : memref<!tpu.dma_semaphore, #tpu.memory_space<semaphore_mem>>) src(%dma_wait3A_52 : memref<1600xf32, #tpu.memory_space<hbm>>) dst(%arg8 : memref<1600xf32, #tpu.memory_space<vmem>>)
    %mul3A_53 = arith.constant 100 : i32
    %mul3A_54 = arith.muli %add3A, %mul3A_53 : i32
    %scan3A_55 = arith.constant 0 : i32
    %scan3A_56 = arith.constant 0 : i32
    %scan3A_57 = arith.constant 100 : i32
    %scan3A_58 = arith.addi %scan3A_56, %scan3A_57 : i32
    %scan3A_59 = arith.constant 4 : i32
    scf.for %scan3A_141 = %scan3A_56 to %scan3A_58 step %scan3A_59  : i32 {
      %mul3A_142 = arith.constant 16 : i32
      %mul3A_143 = arith.muli %scan3A_141, %mul3A_142 : i32
      %get3A = arith.index_cast %mul3A_143 : i32 to index
      %get3A_144 = tpu.vector_load %arg6[%get3A] {strides = array<i32>} : memref<1600xi32, #tpu.memory_space<vmem>>, vector<16xi32>,
      %sub3A = vector.broadcast %mul3A_54 : i32 to vector<16xi32>
      %sub3A_145 = arith.subi %get3A_144, %sub3A : vector<16xi32>
      %mul3A_146 = arith.constant 16 : i32
      %mul3A_147 = arith.muli %scan3A_141, %mul3A_146 : i32
      %get3A_148 = arith.index_cast %mul3A_147 : i32 to index
      %get3A_149 = tpu.vector_load %arg7[%get3A_148] {strides = array<i32>} : memref<1600xi32, #tpu.memory_space<vmem>>, vector<16xi32>,
      %sub3A_150 = vector.broadcast %mul3A_54 : i32 to vector<16xi32>
      %sub3A_151 = arith.subi %get3A_149, %sub3A_150 : vector<16xi32>
      %mul3A_152 = arith.constant 16 : i32
      %mul3A_153 = arith.muli %scan3A_141, %mul3A_152 : i32
      %get3A_154 = arith.index_cast %mul3A_153 : i32 to index
      %get3A_155 = tpu.vector_load %arg8[%get3A_154] {strides = array<i32>} : memref<1600xf32, #tpu.memory_space<vmem>>, vector<16xf32>,
      %mul3A_156 = arith.constant 100 : i32
      %mul3A_157 = vector.broadcast %mul3A_156 : i32 to vector<16xi32>
      %mul3A_158 = arith.muli %sub3A_151, %mul3A_157 : vector<16xi32>
      %add3A_159 = arith.addi %mul3A_158, %sub3A_145 : vector<16xi32>
      %neg3A = arith.constant 0.000000e+00 : f32
      %neg3A_160 = vector.broadcast %neg3A : f32 to vector<16xf32>
      %neg3A_161 = arith.subf %neg3A_160, %get3A_155 : vector<16xf32>
      tpu.vector_store_idx %arg9[%add3A_159], %neg3A_161 : memref<10000xf32, #tpu.memory_space<vmem>>[vector<16xi32>], vector<16xf32>,
      %mul3A_162 = arith.constant 100 : i32
      %mul3A_163 = vector.broadcast %mul3A_162 : i32 to vector<16xi32>
      %mul3A_164 = arith.muli %sub3A_145, %mul3A_163 : vector<16xi32>
      %add3A_165 = arith.addi %mul3A_164, %sub3A_151 : vector<16xi32>
      tpu.vector_store_idx %arg10[%add3A_165], %get3A_155 : memref<10000xf32, #tpu.memory_space<vmem>>[vector<16xi32>], vector<16xf32>,
      %scan3A_166 = arith.constant 1 : i32
      %scan3A_167 = arith.addi %scan3A_141, %scan3A_166 : i32
      %mul3A_168 = arith.constant 16 : i32
      %mul3A_169 = arith.muli %scan3A_167, %mul3A_168 : i32
      %get3A_170 = arith.index_cast %mul3A_169 : i32 to index
      %get3A_171 = tpu.vector_load %arg6[%get3A_170] {strides = array<i32>} : memref<1600xi32, #tpu.memory_space<vmem>>, vector<16xi32>,
      %sub3A_172 = vector.broadcast %mul3A_54 : i32 to vector<16xi32>
      %sub3A_173 = arith.subi %get3A_171, %sub3A_172 : vector<16xi32>
      %mul3A_174 = arith.constant 16 : i32
      %mul3A_175 = arith.muli %scan3A_167, %mul3A_174 : i32
      %get3A_176 = arith.index_cast %mul3A_175 : i32 to index
      %get3A_177 = tpu.vector_load %arg7[%get3A_176] {strides = array<i32>} : memref<1600xi32, #tpu.memory_space<vmem>>, vector<16xi32>,
      %sub3A_178 = vector.broadcast %mul3A_54 : i32 to vector<16xi32>
      %sub3A_179 = arith.subi %get3A_177, %sub3A_178 : vector<16xi32>
      %mul3A_180 = arith.constant 16 : i32
      %mul3A_181 = arith.muli %scan3A_167, %mul3A_180 : i32
      %get3A_182 = arith.index_cast %mul3A_181 : i32 to index
      %get3A_183 = tpu.vector_load %arg8[%get3A_182] {strides = array<i32>} : memref<1600xf32, #tpu.memory_space<vmem>>, vector<16xf32>,
      %mul3A_184 = arith.constant 100 : i32
      %mul3A_185 = vector.broadcast %mul3A_184 : i32 to vector<16xi32>
      %mul3A_186 = arith.muli %sub3A_179, %mul3A_185 : vector<16xi32>
      %add3A_187 = arith.addi %mul3A_186, %sub3A_173 : vector<16xi32>
      %neg3A_188 = arith.constant 0.000000e+00 : f32
      %neg3A_189 = vector.broadcast %neg3A_188 : f32 to vector<16xf32>
      %neg3A_190 = arith.subf %neg3A_189, %get3A_183 : vector<16xf32>
      tpu.vector_store_idx %arg9[%add3A_187], %neg3A_190 : memref<10000xf32, #tpu.memory_space<vmem>>[vector<16xi32>], vector<16xf32>,
      %mul3A_191 = arith.constant 100 : i32
      %mul3A_192 = vector.broadcast %mul3A_191 : i32 to vector<16xi32>
      %mul3A_193 = arith.muli %sub3A_173, %mul3A_192 : vector<16xi32>
      %add3A_194 = arith.addi %mul3A_193, %sub3A_179 : vector<16xi32>
      tpu.vector_store_idx %arg10[%add3A_194], %get3A_183 : memref<10000xf32, #tpu.memory_space<vmem>>[vector<16xi32>], vector<16xf32>,
      %scan3A_195 = arith.constant 2 : i32
      %scan3A_196 = arith.addi %scan3A_141, %scan3A_195 : i32
      %mul3A_197 = arith.constant 16 : i32
      %mul3A_198 = arith.muli %scan3A_196, %mul3A_197 : i32
      %get3A_199 = arith.index_cast %mul3A_198 : i32 to index
      %get3A_200 = tpu.vector_load %arg6[%get3A_199] {strides = array<i32>} : memref<1600xi32, #tpu.memory_space<vmem>>, vector<16xi32>,
      %sub3A_201 = vector.broadcast %mul3A_54 : i32 to vector<16xi32>
      %sub3A_202 = arith.subi %get3A_200, %sub3A_201 : vector<16xi32>
      %mul3A_203 = arith.constant 16 : i32
      %mul3A_204 = arith.muli %scan3A_196, %mul3A_203 : i32
      %get3A_205 = arith.index_cast %mul3A_204 : i32 to index
      %get3A_206 = tpu.vector_load %arg7[%get3A_205] {strides = array<i32>} : memref<1600xi32, #tpu.memory_space<vmem>>, vector<16xi32>,
      %sub3A_207 = vector.broadcast %mul3A_54 : i32 to vector<16xi32>
      %sub3A_208 = arith.subi %get3A_206, %sub3A_207 : vector<16xi32>
      %mul3A_209 = arith.constant 16 : i32
      %mul3A_210 = arith.muli %scan3A_196, %mul3A_209 : i32
      %get3A_211 = arith.index_cast %mul3A_210 : i32 to index
      %get3A_212 = tpu.vector_load %arg8[%get3A_211] {strides = array<i32>} : memref<1600xf32, #tpu.memory_space<vmem>>, vector<16xf32>,
      %mul3A_213 = arith.constant 100 : i32
      %mul3A_214 = vector.broadcast %mul3A_213 : i32 to vector<16xi32>
      %mul3A_215 = arith.muli %sub3A_208, %mul3A_214 : vector<16xi32>
      %add3A_216 = arith.addi %mul3A_215, %sub3A_202 : vector<16xi32>
      %neg3A_217 = arith.constant 0.000000e+00 : f32
      %neg3A_218 = vector.broadcast %neg3A_217 : f32 to vector<16xf32>
      %neg3A_219 = arith.subf %neg3A_218, %get3A_212 : vector<16xf32>
      tpu.vector_store_idx %arg9[%add3A_216], %neg3A_219 : memref<10000xf32, #tpu.memory_space<vmem>>[vector<16xi32>], vector<16xf32>,
      %mul3A_220 = arith.constant 100 : i32
      %mul3A_221 = vector.broadcast %mul3A_220 : i32 to vector<16xi32>
      %mul3A_222 = arith.muli %sub3A_202, %mul3A_221 : vector<16xi32>
      %add3A_223 = arith.addi %mul3A_222, %sub3A_208 : vector<16xi32>
      tpu.vector_store_idx %arg10[%add3A_223], %get3A_212 : memref<10000xf32, #tpu.memory_space<vmem>>[vector<16xi32>], vector<16xf32>,
      %scan3A_224 = arith.constant 3 : i32
      %scan3A_225 = arith.addi %scan3A_141, %scan3A_224 : i32
      %mul3A_226 = arith.constant 16 : i32
      %mul3A_227 = arith.muli %scan3A_225, %mul3A_226 : i32
      %get3A_228 = arith.index_cast %mul3A_227 : i32 to index
      %get3A_229 = tpu.vector_load %arg6[%get3A_228] {strides = array<i32>} : memref<1600xi32, #tpu.memory_space<vmem>>, vector<16xi32>,
      %sub3A_230 = vector.broadcast %mul3A_54 : i32 to vector<16xi32>
      %sub3A_231 = arith.subi %get3A_229, %sub3A_230 : vector<16xi32>
      %mul3A_232 = arith.constant 16 : i32
      %mul3A_233 = arith.muli %scan3A_225, %mul3A_232 : i32
      %get3A_234 = arith.index_cast %mul3A_233 : i32 to index
      %get3A_235 = tpu.vector_load %arg7[%get3A_234] {strides = array<i32>} : memref<1600xi32, #tpu.memory_space<vmem>>, vector<16xi32>,
      %sub3A_236 = vector.broadcast %mul3A_54 : i32 to vector<16xi32>
      %sub3A_237 = arith.subi %get3A_235, %sub3A_236 : vector<16xi32>
      %mul3A_238 = arith.constant 16 : i32
      %mul3A_239 = arith.muli %scan3A_225, %mul3A_238 : i32
      %get3A_240 = arith.index_cast %mul3A_239 : i32 to index
      %get3A_241 = tpu.vector_load %arg8[%get3A_240] {strides = array<i32>} : memref<1600xf32, #tpu.memory_space<vmem>>, vector<16xf32>,
      %mul3A_242 = arith.constant 100 : i32
      %mul3A_243 = vector.broadcast %mul3A_242 : i32 to vector<16xi32>
      %mul3A_244 = arith.muli %sub3A_237, %mul3A_243 : vector<16xi32>
      %add3A_245 = arith.addi %mul3A_244, %sub3A_231 : vector<16xi32>
      %neg3A_246 = arith.constant 0.000000e+00 : f32
      %neg3A_247 = vector.broadcast %neg3A_246 : f32 to vector<16xf32>
      %neg3A_248 = arith.subf %neg3A_247, %get3A_241 : vector<16xf32>
      tpu.vector_store_idx %arg9[%add3A_245], %neg3A_248 : memref<10000xf32, #tpu.memory_space<vmem>>[vector<16xi32>], vector<16xf32>,
      %mul3A_249 = arith.constant 100 : i32
      %mul3A_250 = vector.broadcast %mul3A_249 : i32 to vector<16xi32>
      %mul3A_251 = arith.muli %sub3A_231, %mul3A_250 : vector<16xi32>
      %add3A_252 = arith.addi %mul3A_251, %sub3A_237 : vector<16xi32>
      tpu.vector_store_idx %arg10[%add3A_252], %get3A_241 : memref<10000xf32, #tpu.memory_space<vmem>>[vector<16xi32>], vector<16xf32>,
    }
    %scan3A_60 = arith.constant 100 : i32
    %dma_start3A_61 = arith.constant 0 : i32
    %dma_start3A_62 = tpu.memref_slice %arg4[%add3A, %dma_start3A_61] : memref<50x10000xf32, #tpu.memory_space<hbm>> -> memref<1x10000xf32, #tpu.memory_space<hbm>>
    %dma_start3A_63 = tpu.memref_squeeze %dma_start3A_62 : memref<1x10000xf32, #tpu.memory_space<hbm>> -> memref<10000xf32, #tpu.memory_space<hbm>>
    %dma_start3A_64 = arith.constant 0 : i32
    %dma_start3A_65 = tpu.memref_slice %arg4[%add3A, %dma_start3A_64] : memref<50x10000xf32, #tpu.memory_space<hbm>> -> memref<1x10000xf32, #tpu.memory_space<hbm>>
    %dma_start3A_66 = tpu.memref_squeeze %dma_start3A_65 : memref<1x10000xf32, #tpu.memory_space<hbm>> -> memref<10000xf32, #tpu.memory_space<hbm>>
    tpu.enqueue_dma source(%arg9 : memref<10000xf32, #tpu.memory_space<vmem>>) target(%dma_start3A_66 : memref<10000xf32, #tpu.memory_space<hbm>>) target_semaphore(%arg18 : memref<!tpu.dma_semaphore, #tpu.memory_space<semaphore_mem>>)
    %dma_start3A_67 = arith.constant 0 : i32
    %dma_start3A_68 = tpu.memref_slice %arg5[%add3A, %dma_start3A_67] : memref<50x10000xf32, #tpu.memory_space<hbm>> -> memref<1x10000xf32, #tpu.memory_space<hbm>>
    %dma_start3A_69 = tpu.memref_squeeze %dma_start3A_68 : memref<1x10000xf32, #tpu.memory_space<hbm>> -> memref<10000xf32, #tpu.memory_space<hbm>>
    %dma_start3A_70 = arith.constant 0 : i32
    %dma_start3A_71 = tpu.memref_slice %arg5[%add3A, %dma_start3A_70] : memref<50x10000xf32, #tpu.memory_space<hbm>> -> memref<1x10000xf32, #tpu.memory_space<hbm>>
    %dma_start3A_72 = tpu.memref_squeeze %dma_start3A_71 : memref<1x10000xf32, #tpu.memory_space<hbm>> -> memref<10000xf32, #tpu.memory_space<hbm>>
    tpu.enqueue_dma source(%arg10 : memref<10000xf32, #tpu.memory_space<vmem>>) target(%dma_start3A_72 : memref<10000xf32, #tpu.memory_space<hbm>>) target_semaphore(%arg18 : memref<!tpu.dma_semaphore, #tpu.memory_space<semaphore_mem>>)
    %broadcast_in_dim3A_73 = arith.constant 0.000000e+00 : f32
    %broadcast_in_dim3A_74 = vector.broadcast %broadcast_in_dim3A_73 : f32 to vector<16xf32>
    %scan3A_75 = arith.constant 0 : i32
    %scan3A_76 = arith.constant 0 : i32
    %scan3A_77 = arith.constant 624 : i32
    %scan3A_78 = arith.addi %scan3A_76, %scan3A_77 : i32
    %scan3A_79 = arith.constant 8 : i32
    scf.for %scan3A_141 = %scan3A_76 to %scan3A_78 step %scan3A_79  : i32 {
      %mul3A_142 = arith.constant 16 : i32
      %mul3A_143 = arith.muli %scan3A_141, %mul3A_142 : i32
      %swap3A_144 = arith.index_cast %mul3A_143 : i32 to index
      %swap3A_145 = tpu.vector_load %arg14[%swap3A_144] {strides = array<i32>} : memref<10000xf32, #tpu.memory_space<vmem>>, vector<16xf32>,
      tpu.vector_store %arg14[%swap3A_144], %broadcast_in_dim3A_74 {strides = array<i32>} : memref<10000xf32, #tpu.memory_space<vmem>>, vector<16xf32>,
      %mul3A_146 = arith.constant 16 : i32
      %mul3A_147 = arith.muli %scan3A_141, %mul3A_146 : i32
      %swap3A_148 = arith.index_cast %mul3A_147 : i32 to index
      %swap3A_149 = tpu.vector_load %arg15[%swap3A_148] {strides = array<i32>} : memref<10000xf32, #tpu.memory_space<vmem>>, vector<16xf32>,
      tpu.vector_store %arg15[%swap3A_148], %broadcast_in_dim3A_74 {strides = array<i32>} : memref<10000xf32, #tpu.memory_space<vmem>>, vector<16xf32>,
      %scan3A_150 = arith.constant 1 : i32
      %scan3A_151 = arith.addi %scan3A_141, %scan3A_150 : i32
      %mul3A_152 = arith.constant 16 : i32
      %mul3A_153 = arith.muli %scan3A_151, %mul3A_152 : i32
      %swap3A_154 = arith.index_cast %mul3A_153 : i32 to index
      %swap3A_155 = tpu.vector_load %arg14[%swap3A_154] {strides = array<i32>} : memref<10000xf32, #tpu.memory_space<vmem>>, vector<16xf32>,
      tpu.vector_store %arg14[%swap3A_154], %broadcast_in_dim3A_74 {strides = array<i32>} : memref<10000xf32, #tpu.memory_space<vmem>>, vector<16xf32>,
      %mul3A_156 = arith.constant 16 : i32
      %mul3A_157 = arith.muli %scan3A_151, %mul3A_156 : i32
      %swap3A_158 = arith.index_cast %mul3A_157 : i32 to index
      %swap3A_159 = tpu.vector_load %arg15[%swap3A_158] {strides = array<i32>} : memref<10000xf32, #tpu.memory_space<vmem>>, vector<16xf32>,
      tpu.vector_store %arg15[%swap3A_158], %broadcast_in_dim3A_74 {strides = array<i32>} : memref<10000xf32, #tpu.memory_space<vmem>>, vector<16xf32>,
      %scan3A_160 = arith.constant 2 : i32
      %scan3A_161 = arith.addi %scan3A_141, %scan3A_160 : i32
      %mul3A_162 = arith.constant 16 : i32
      %mul3A_163 = arith.muli %scan3A_161, %mul3A_162 : i32
      %swap3A_164 = arith.index_cast %mul3A_163 : i32 to index
      %swap3A_165 = tpu.vector_load %arg14[%swap3A_164] {strides = array<i32>} : memref<10000xf32, #tpu.memory_space<vmem>>, vector<16xf32>,
      tpu.vector_store %arg14[%swap3A_164], %broadcast_in_dim3A_74 {strides = array<i32>} : memref<10000xf32, #tpu.memory_space<vmem>>, vector<16xf32>,
      %mul3A_166 = arith.constant 16 : i32
      %mul3A_167 = arith.muli %scan3A_161, %mul3A_166 : i32
      %swap3A_168 = arith.index_cast %mul3A_167 : i32 to index
      %swap3A_169 = tpu.vector_load %arg15[%swap3A_168] {strides = array<i32>} : memref<10000xf32, #tpu.memory_space<vmem>>, vector<16xf32>,
      tpu.vector_store %arg15[%swap3A_168], %broadcast_in_dim3A_74 {strides = array<i32>} : memref<10000xf32, #tpu.memory_space<vmem>>, vector<16xf32>,
      %scan3A_170 = arith.constant 3 : i32
      %scan3A_171 = arith.addi %scan3A_141, %scan3A_170 : i32
      %mul3A_172 = arith.constant 16 : i32
      %mul3A_173 = arith.muli %scan3A_171, %mul3A_172 : i32
      %swap3A_174 = arith.index_cast %mul3A_173 : i32 to index
      %swap3A_175 = tpu.vector_load %arg14[%swap3A_174] {strides = array<i32>} : memref<10000xf32, #tpu.memory_space<vmem>>, vector<16xf32>,
      tpu.vector_store %arg14[%swap3A_174], %broadcast_in_dim3A_74 {strides = array<i32>} : memref<10000xf32, #tpu.memory_space<vmem>>, vector<16xf32>,
      %mul3A_176 = arith.constant 16 : i32
      %mul3A_177 = arith.muli %scan3A_171, %mul3A_176 : i32
      %swap3A_178 = arith.index_cast %mul3A_177 : i32 to index
      %swap3A_179 = tpu.vector_load %arg15[%swap3A_178] {strides = array<i32>} : memref<10000xf32, #tpu.memory_space<vmem>>, vector<16xf32>,
      tpu.vector_store %arg15[%swap3A_178], %broadcast_in_dim3A_74 {strides = array<i32>} : memref<10000xf32, #tpu.memory_space<vmem>>, vector<16xf32>,
      %scan3A_180 = arith.constant 4 : i32
      %scan3A_181 = arith.addi %scan3A_141, %scan3A_180 : i32
      %mul3A_182 = arith.constant 16 : i32
      %mul3A_183 = arith.muli %scan3A_181, %mul3A_182 : i32
      %swap3A_184 = arith.index_cast %mul3A_183 : i32 to index
      %swap3A_185 = tpu.vector_load %arg14[%swap3A_184] {strides = array<i32>} : memref<10000xf32, #tpu.memory_space<vmem>>, vector<16xf32>,
      tpu.vector_store %arg14[%swap3A_184], %broadcast_in_dim3A_74 {strides = array<i32>} : memref<10000xf32, #tpu.memory_space<vmem>>, vector<16xf32>,
      %mul3A_186 = arith.constant 16 : i32
      %mul3A_187 = arith.muli %scan3A_181, %mul3A_186 : i32
      %swap3A_188 = arith.index_cast %mul3A_187 : i32 to index
      %swap3A_189 = tpu.vector_load %arg15[%swap3A_188] {strides = array<i32>} : memref<10000xf32, #tpu.memory_space<vmem>>, vector<16xf32>,
      tpu.vector_store %arg15[%swap3A_188], %broadcast_in_dim3A_74 {strides = array<i32>} : memref<10000xf32, #tpu.memory_space<vmem>>, vector<16xf32>,
      %scan3A_190 = arith.constant 5 : i32
      %scan3A_191 = arith.addi %scan3A_141, %scan3A_190 : i32
      %mul3A_192 = arith.constant 16 : i32
      %mul3A_193 = arith.muli %scan3A_191, %mul3A_192 : i32
      %swap3A_194 = arith.index_cast %mul3A_193 : i32 to index
      %swap3A_195 = tpu.vector_load %arg14[%swap3A_194] {strides = array<i32>} : memref<10000xf32, #tpu.memory_space<vmem>>, vector<16xf32>,
      tpu.vector_store %arg14[%swap3A_194], %broadcast_in_dim3A_74 {strides = array<i32>} : memref<10000xf32, #tpu.memory_space<vmem>>, vector<16xf32>,
      %mul3A_196 = arith.constant 16 : i32
      %mul3A_197 = arith.muli %scan3A_191, %mul3A_196 : i32
      %swap3A_198 = arith.index_cast %mul3A_197 : i32 to index
      %swap3A_199 = tpu.vector_load %arg15[%swap3A_198] {strides = array<i32>} : memref<10000xf32, #tpu.memory_space<vmem>>, vector<16xf32>,
      tpu.vector_store %arg15[%swap3A_198], %broadcast_in_dim3A_74 {strides = array<i32>} : memref<10000xf32, #tpu.memory_space<vmem>>, vector<16xf32>,
      %scan3A_200 = arith.constant 6 : i32
      %scan3A_201 = arith.addi %scan3A_141, %scan3A_200 : i32
      %mul3A_202 = arith.constant 16 : i32
      %mul3A_203 = arith.muli %scan3A_201, %mul3A_202 : i32
      %swap3A_204 = arith.index_cast %mul3A_203 : i32 to index
      %swap3A_205 = tpu.vector_load %arg14[%swap3A_204] {strides = array<i32>} : memref<10000xf32, #tpu.memory_space<vmem>>, vector<16xf32>,
      tpu.vector_store %arg14[%swap3A_204], %broadcast_in_dim3A_74 {strides = array<i32>} : memref<10000xf32, #tpu.memory_space<vmem>>, vector<16xf32>,
      %mul3A_206 = arith.constant 16 : i32
      %mul3A_207 = arith.muli %scan3A_201, %mul3A_206 : i32
      %swap3A_208 = arith.index_cast %mul3A_207 : i32 to index
      %swap3A_209 = tpu.vector_load %arg15[%swap3A_208] {strides = array<i32>} : memref<10000xf32, #tpu.memory_space<vmem>>, vector<16xf32>,
      tpu.vector_store %arg15[%swap3A_208], %broadcast_in_dim3A_74 {strides = array<i32>} : memref<10000xf32, #tpu.memory_space<vmem>>, vector<16xf32>,
      %scan3A_210 = arith.constant 7 : i32
      %scan3A_211 = arith.addi %scan3A_141, %scan3A_210 : i32
      %mul3A_212 = arith.constant 16 : i32
      %mul3A_213 = arith.muli %scan3A_211, %mul3A_212 : i32
      %swap3A_214 = arith.index_cast %mul3A_213 : i32 to index
      %swap3A_215 = tpu.vector_load %arg14[%swap3A_214] {strides = array<i32>} : memref<10000xf32, #tpu.memory_space<vmem>>, vector<16xf32>,
      tpu.vector_store %arg14[%swap3A_214], %broadcast_in_dim3A_74 {strides = array<i32>} : memref<10000xf32, #tpu.memory_space<vmem>>, vector<16xf32>,
      %mul3A_216 = arith.constant 16 : i32
      %mul3A_217 = arith.muli %scan3A_211, %mul3A_216 : i32
      %swap3A_218 = arith.index_cast %mul3A_217 : i32 to index
      %swap3A_219 = tpu.vector_load %arg15[%swap3A_218] {strides = array<i32>} : memref<10000xf32, #tpu.memory_space<vmem>>, vector<16xf32>,
      tpu.vector_store %arg15[%swap3A_218], %broadcast_in_dim3A_74 {strides = array<i32>} : memref<10000xf32, #tpu.memory_space<vmem>>, vector<16xf32>,
    }
    %scan3A_80 = arith.constant 624 : i32
    %scan3A_81 = arith.addi %scan3A_76, %scan3A_80 : i32
    %mul3A_82 = arith.constant 16 : i32
    %mul3A_83 = arith.muli %scan3A_81, %mul3A_82 : i32
    %swap3A_84 = arith.index_cast %mul3A_83 : i32 to index
    %swap3A_85 = tpu.vector_load %arg14[%swap3A_84] {strides = array<i32>} : memref<10000xf32, #tpu.memory_space<vmem>>, vector<16xf32>,
    tpu.vector_store %arg14[%swap3A_84], %broadcast_in_dim3A_74 {strides = array<i32>} : memref<10000xf32, #tpu.memory_space<vmem>>, vector<16xf32>,
    %mul3A_86 = arith.constant 16 : i32
    %mul3A_87 = arith.muli %scan3A_81, %mul3A_86 : i32
    %swap3A_88 = arith.index_cast %mul3A_87 : i32 to index
    %swap3A_89 = tpu.vector_load %arg15[%swap3A_88] {strides = array<i32>} : memref<10000xf32, #tpu.memory_space<vmem>>, vector<16xf32>,
    tpu.vector_store %arg15[%swap3A_88], %broadcast_in_dim3A_74 {strides = array<i32>} : memref<10000xf32, #tpu.memory_space<vmem>>, vector<16xf32>,
    %scan3A_90 = arith.constant 625 : i32
    %dma_wait3A_91 = tpu.memref_slice %arg2[%mul3A_20] : memref<160000xi32, #tpu.memory_space<hbm>> -> memref<1600xi32, #tpu.memory_space<hbm>>
    %dma_wait3A_92 = tpu.memref_slice %arg2[%mul3A_20] : memref<160000xi32, #tpu.memory_space<hbm>> -> memref<1600xi32, #tpu.memory_space<hbm>>
    tpu.wait_dma2 semaphore(%arg17 : memref<!tpu.dma_semaphore, #tpu.memory_space<semaphore_mem>>) src(%dma_wait3A_92 : memref<1600xi32, #tpu.memory_space<hbm>>) dst(%arg11 : memref<1600xi32, #tpu.memory_space<vmem>>)
    %dma_wait3A_93 = tpu.memref_slice %arg2[%add3A_26] : memref<160000xi32, #tpu.memory_space<hbm>> -> memref<1600xi32, #tpu.memory_space<hbm>>
    %dma_wait3A_94 = tpu.memref_slice %arg2[%add3A_26] : memref<160000xi32, #tpu.memory_space<hbm>> -> memref<1600xi32, #tpu.memory_space<hbm>>
    tpu.wait_dma2 semaphore(%arg17 : memref<!tpu.dma_semaphore, #tpu.memory_space<semaphore_mem>>) src(%dma_wait3A_94 : memref<1600xi32, #tpu.memory_space<hbm>>) dst(%arg12 : memref<1600xi32, #tpu.memory_space<vmem>>)
    %dma_wait3A_95 = tpu.memref_slice %arg3[%mul3A_30] : memref<80000xf32, #tpu.memory_space<hbm>> -> memref<1600xf32, #tpu.memory_space<hbm>>
    %dma_wait3A_96 = tpu.memref_slice %arg3[%mul3A_30] : memref<80000xf32, #tpu.memory_space<hbm>> -> memref<1600xf32, #tpu.memory_space<hbm>>
    tpu.wait_dma2 semaphore(%arg17 : memref<!tpu.dma_semaphore, #tpu.memory_space<semaphore_mem>>) src(%dma_wait3A_96 : memref<1600xf32, #tpu.memory_space<hbm>>) dst(%arg13 : memref<1600xf32, #tpu.memory_space<vmem>>)
    %mul3A_97 = arith.constant 100 : i32
    %mul3A_98 = arith.muli %select_n3A, %mul3A_97 : i32
    %scan3A_99 = arith.constant 0 : i32
    %scan3A_100 = arith.constant 0 : i32
    %scan3A_101 = arith.constant 100 : i32
    %scan3A_102 = arith.addi %scan3A_100, %scan3A_101 : i32
    %scan3A_103 = arith.constant 4 : i32
    scf.for %scan3A_141 = %scan3A_100 to %scan3A_102 step %scan3A_103  : i32 {
      %mul3A_142 = arith.constant 16 : i32
      %mul3A_143 = arith.muli %scan3A_141, %mul3A_142 : i32
      %get3A = arith.index_cast %mul3A_143 : i32 to index
      %get3A_144 = tpu.vector_load %arg11[%get3A] {strides = array<i32>} : memref<1600xi32, #tpu.memory_space<vmem>>, vector<16xi32>,
      %sub3A = vector.broadcast %mul3A_98 : i32 to vector<16xi32>
      %sub3A_145 = arith.subi %get3A_144, %sub3A : vector<16xi32>
      %mul3A_146 = arith.constant 16 : i32
      %mul3A_147 = arith.muli %scan3A_141, %mul3A_146 : i32
      %get3A_148 = arith.index_cast %mul3A_147 : i32 to index
      %get3A_149 = tpu.vector_load %arg12[%get3A_148] {strides = array<i32>} : memref<1600xi32, #tpu.memory_space<vmem>>, vector<16xi32>,
      %sub3A_150 = vector.broadcast %mul3A_98 : i32 to vector<16xi32>
      %sub3A_151 = arith.subi %get3A_149, %sub3A_150 : vector<16xi32>
      %mul3A_152 = arith.constant 16 : i32
      %mul3A_153 = arith.muli %scan3A_141, %mul3A_152 : i32
      %get3A_154 = arith.index_cast %mul3A_153 : i32 to index
      %get3A_155 = tpu.vector_load %arg13[%get3A_154] {strides = array<i32>} : memref<1600xf32, #tpu.memory_space<vmem>>, vector<16xf32>,
      %mul3A_156 = arith.constant 100 : i32
      %mul3A_157 = vector.broadcast %mul3A_156 : i32 to vector<16xi32>
      %mul3A_158 = arith.muli %sub3A_151, %mul3A_157 : vector<16xi32>
      %add3A_159 = arith.addi %mul3A_158, %sub3A_145 : vector<16xi32>
      %neg3A = arith.constant 0.000000e+00 : f32
      %neg3A_160 = vector.broadcast %neg3A : f32 to vector<16xf32>
      %neg3A_161 = arith.subf %neg3A_160, %get3A_155 : vector<16xf32>
      tpu.vector_store_idx %arg14[%add3A_159], %neg3A_161 : memref<10000xf32, #tpu.memory_space<vmem>>[vector<16xi32>], vector<16xf32>,
      %mul3A_162 = arith.constant 100 : i32
      %mul3A_163 = vector.broadcast %mul3A_162 : i32 to vector<16xi32>
      %mul3A_164 = arith.muli %sub3A_145, %mul3A_163 : vector<16xi32>
      %add3A_165 = arith.addi %mul3A_164, %sub3A_151 : vector<16xi32>
      tpu.vector_store_idx %arg15[%add3A_165], %get3A_155 : memref<10000xf32, #tpu.memory_space<vmem>>[vector<16xi32>], vector<16xf32>,
      %scan3A_166 = arith.constant 1 : i32
      %scan3A_167 = arith.addi %scan3A_141, %scan3A_166 : i32
      %mul3A_168 = arith.constant 16 : i32
      %mul3A_169 = arith.muli %scan3A_167, %mul3A_168 : i32
      %get3A_170 = arith.index_cast %mul3A_169 : i32 to index
      %get3A_171 = tpu.vector_load %arg11[%get3A_170] {strides = array<i32>} : memref<1600xi32, #tpu.memory_space<vmem>>, vector<16xi32>,
      %sub3A_172 = vector.broadcast %mul3A_98 : i32 to vector<16xi32>
      %sub3A_173 = arith.subi %get3A_171, %sub3A_172 : vector<16xi32>
      %mul3A_174 = arith.constant 16 : i32
      %mul3A_175 = arith.muli %scan3A_167, %mul3A_174 : i32
      %get3A_176 = arith.index_cast %mul3A_175 : i32 to index
      %get3A_177 = tpu.vector_load %arg12[%get3A_176] {strides = array<i32>} : memref<1600xi32, #tpu.memory_space<vmem>>, vector<16xi32>,
      %sub3A_178 = vector.broadcast %mul3A_98 : i32 to vector<16xi32>
      %sub3A_179 = arith.subi %get3A_177, %sub3A_178 : vector<16xi32>
      %mul3A_180 = arith.constant 16 : i32
      %mul3A_181 = arith.muli %scan3A_167, %mul3A_180 : i32
      %get3A_182 = arith.index_cast %mul3A_181 : i32 to index
      %get3A_183 = tpu.vector_load %arg13[%get3A_182] {strides = array<i32>} : memref<1600xf32, #tpu.memory_space<vmem>>, vector<16xf32>,
      %mul3A_184 = arith.constant 100 : i32
      %mul3A_185 = vector.broadcast %mul3A_184 : i32 to vector<16xi32>
      %mul3A_186 = arith.muli %sub3A_179, %mul3A_185 : vector<16xi32>
      %add3A_187 = arith.addi %mul3A_186, %sub3A_173 : vector<16xi32>
      %neg3A_188 = arith.constant 0.000000e+00 : f32
      %neg3A_189 = vector.broadcast %neg3A_188 : f32 to vector<16xf32>
      %neg3A_190 = arith.subf %neg3A_189, %get3A_183 : vector<16xf32>
      tpu.vector_store_idx %arg14[%add3A_187], %neg3A_190 : memref<10000xf32, #tpu.memory_space<vmem>>[vector<16xi32>], vector<16xf32>,
      %mul3A_191 = arith.constant 100 : i32
      %mul3A_192 = vector.broadcast %mul3A_191 : i32 to vector<16xi32>
      %mul3A_193 = arith.muli %sub3A_173, %mul3A_192 : vector<16xi32>
      %add3A_194 = arith.addi %mul3A_193, %sub3A_179 : vector<16xi32>
      tpu.vector_store_idx %arg15[%add3A_194], %get3A_183 : memref<10000xf32, #tpu.memory_space<vmem>>[vector<16xi32>], vector<16xf32>,
      %scan3A_195 = arith.constant 2 : i32
      %scan3A_196 = arith.addi %scan3A_141, %scan3A_195 : i32
      %mul3A_197 = arith.constant 16 : i32
      %mul3A_198 = arith.muli %scan3A_196, %mul3A_197 : i32
      %get3A_199 = arith.index_cast %mul3A_198 : i32 to index
      %get3A_200 = tpu.vector_load %arg11[%get3A_199] {strides = array<i32>} : memref<1600xi32, #tpu.memory_space<vmem>>, vector<16xi32>,
      %sub3A_201 = vector.broadcast %mul3A_98 : i32 to vector<16xi32>
      %sub3A_202 = arith.subi %get3A_200, %sub3A_201 : vector<16xi32>
      %mul3A_203 = arith.constant 16 : i32
      %mul3A_204 = arith.muli %scan3A_196, %mul3A_203 : i32
      %get3A_205 = arith.index_cast %mul3A_204 : i32 to index
      %get3A_206 = tpu.vector_load %arg12[%get3A_205] {strides = array<i32>} : memref<1600xi32, #tpu.memory_space<vmem>>, vector<16xi32>,
      %sub3A_207 = vector.broadcast %mul3A_98 : i32 to vector<16xi32>
      %sub3A_208 = arith.subi %get3A_206, %sub3A_207 : vector<16xi32>
      %mul3A_209 = arith.constant 16 : i32
      %mul3A_210 = arith.muli %scan3A_196, %mul3A_209 : i32
      %get3A_211 = arith.index_cast %mul3A_210 : i32 to index
      %get3A_212 = tpu.vector_load %arg13[%get3A_211] {strides = array<i32>} : memref<1600xf32, #tpu.memory_space<vmem>>, vector<16xf32>,
      %mul3A_213 = arith.constant 100 : i32
      %mul3A_214 = vector.broadcast %mul3A_213 : i32 to vector<16xi32>
      %mul3A_215 = arith.muli %sub3A_208, %mul3A_214 : vector<16xi32>
      %add3A_216 = arith.addi %mul3A_215, %sub3A_202 : vector<16xi32>
      %neg3A_217 = arith.constant 0.000000e+00 : f32
      %neg3A_218 = vector.broadcast %neg3A_217 : f32 to vector<16xf32>
      %neg3A_219 = arith.subf %neg3A_218, %get3A_212 : vector<16xf32>
      tpu.vector_store_idx %arg14[%add3A_216], %neg3A_219 : memref<10000xf32, #tpu.memory_space<vmem>>[vector<16xi32>], vector<16xf32>,
      %mul3A_220 = arith.constant 100 : i32
      %mul3A_221 = vector.broadcast %mul3A_220 : i32 to vector<16xi32>
      %mul3A_222 = arith.muli %sub3A_202, %mul3A_221 : vector<16xi32>
      %add3A_223 = arith.addi %mul3A_222, %sub3A_208 : vector<16xi32>
      tpu.vector_store_idx %arg15[%add3A_223], %get3A_212 : memref<10000xf32, #tpu.memory_space<vmem>>[vector<16xi32>], vector<16xf32>,
      %scan3A_224 = arith.constant 3 : i32
      %scan3A_225 = arith.addi %scan3A_141, %scan3A_224 : i32
      %mul3A_226 = arith.constant 16 : i32
      %mul3A_227 = arith.muli %scan3A_225, %mul3A_226 : i32
      %get3A_228 = arith.index_cast %mul3A_227 : i32 to index
      %get3A_229 = tpu.vector_load %arg11[%get3A_228] {strides = array<i32>} : memref<1600xi32, #tpu.memory_space<vmem>>, vector<16xi32>,
      %sub3A_230 = vector.broadcast %mul3A_98 : i32 to vector<16xi32>
      %sub3A_231 = arith.subi %get3A_229, %sub3A_230 : vector<16xi32>
      %mul3A_232 = arith.constant 16 : i32
      %mul3A_233 = arith.muli %scan3A_225, %mul3A_232 : i32
      %get3A_234 = arith.index_cast %mul3A_233 : i32 to index
      %get3A_235 = tpu.vector_load %arg12[%get3A_234] {strides = array<i32>} : memref<1600xi32, #tpu.memory_space<vmem>>, vector<16xi32>,
      %sub3A_236 = vector.broadcast %mul3A_98 : i32 to vector<16xi32>
      %sub3A_237 = arith.subi %get3A_235, %sub3A_236 : vector<16xi32>
      %mul3A_238 = arith.constant 16 : i32
      %mul3A_239 = arith.muli %scan3A_225, %mul3A_238 : i32
      %get3A_240 = arith.index_cast %mul3A_239 : i32 to index
      %get3A_241 = tpu.vector_load %arg13[%get3A_240] {strides = array<i32>} : memref<1600xf32, #tpu.memory_space<vmem>>, vector<16xf32>,
      %mul3A_242 = arith.constant 100 : i32
      %mul3A_243 = vector.broadcast %mul3A_242 : i32 to vector<16xi32>
      %mul3A_244 = arith.muli %sub3A_237, %mul3A_243 : vector<16xi32>
      %add3A_245 = arith.addi %mul3A_244, %sub3A_231 : vector<16xi32>
      %neg3A_246 = arith.constant 0.000000e+00 : f32
      %neg3A_247 = vector.broadcast %neg3A_246 : f32 to vector<16xf32>
      %neg3A_248 = arith.subf %neg3A_247, %get3A_241 : vector<16xf32>
      tpu.vector_store_idx %arg14[%add3A_245], %neg3A_248 : memref<10000xf32, #tpu.memory_space<vmem>>[vector<16xi32>], vector<16xf32>,
      %mul3A_249 = arith.constant 100 : i32
      %mul3A_250 = vector.broadcast %mul3A_249 : i32 to vector<16xi32>
      %mul3A_251 = arith.muli %sub3A_231, %mul3A_250 : vector<16xi32>
      %add3A_252 = arith.addi %mul3A_251, %sub3A_237 : vector<16xi32>
      tpu.vector_store_idx %arg15[%add3A_252], %get3A_241 : memref<10000xf32, #tpu.memory_space<vmem>>[vector<16xi32>], vector<16xf32>,
    }
    %scan3A_104 = arith.constant 100 : i32
    %dma_start3A_105 = arith.constant 0 : i32
    %dma_start3A_106 = tpu.memref_slice %arg4[%select_n3A, %dma_start3A_105] : memref<50x10000xf32, #tpu.memory_space<hbm>> -> memref<1x10000xf32, #tpu.memory_space<hbm>>
    %dma_start3A_107 = tpu.memref_squeeze %dma_start3A_106 : memref<1x10000xf32, #tpu.memory_space<hbm>> -> memref<10000xf32, #tpu.memory_space<hbm>>
    %dma_start3A_108 = arith.constant 0 : i32
    %dma_start3A_109 = tpu.memref_slice %arg4[%select_n3A, %dma_start3A_108] : memref<50x10000xf32, #tpu.memory_space<hbm>> -> memref<1x10000xf32, #tpu.memory_space<hbm>>
    %dma_start3A_110 = tpu.memref_squeeze %dma_start3A_109 : memref<1x10000xf32, #tpu.memory_space<hbm>> -> memref<10000xf32, #tpu.memory_space<hbm>>
    tpu.enqueue_dma source(%arg14 : memref<10000xf32, #tpu.memory_space<vmem>>) target(%dma_start3A_110 : memref<10000xf32, #tpu.memory_space<hbm>>) target_semaphore(%arg18 : memref<!tpu.dma_semaphore, #tpu.memory_space<semaphore_mem>>)
    %dma_start3A_111 = arith.constant 0 : i32
    %dma_start3A_112 = tpu.memref_slice %arg5[%select_n3A, %dma_start3A_111] : memref<50x10000xf32, #tpu.memory_space<hbm>> -> memref<1x10000xf32, #tpu.memory_space<hbm>>
    %dma_start3A_113 = tpu.memref_squeeze %dma_start3A_112 : memref<1x10000xf32, #tpu.memory_space<hbm>> -> memref<10000xf32, #tpu.memory_space<hbm>>
    %dma_start3A_114 = arith.constant 0 : i32
    %dma_start3A_115 = tpu.memref_slice %arg5[%select_n3A, %dma_start3A_114] : memref<50x10000xf32, #tpu.memory_space<hbm>> -> memref<1x10000xf32, #tpu.memory_space<hbm>>
    %dma_start3A_116 = tpu.memref_squeeze %dma_start3A_115 : memref<1x10000xf32, #tpu.memory_space<hbm>> -> memref<10000xf32, #tpu.memory_space<hbm>>
    tpu.enqueue_dma source(%arg15 : memref<10000xf32, #tpu.memory_space<vmem>>) target(%dma_start3A_116 : memref<10000xf32, #tpu.memory_space<hbm>>) target_semaphore(%arg18 : memref<!tpu.dma_semaphore, #tpu.memory_space<semaphore_mem>>)
    %dma_wait3A_117 = arith.constant 0 : i32
    %dma_wait3A_118 = tpu.memref_slice %arg4[%add3A, %dma_wait3A_117] : memref<50x10000xf32, #tpu.memory_space<hbm>> -> memref<1x10000xf32, #tpu.memory_space<hbm>>
    %dma_wait3A_119 = tpu.memref_squeeze %dma_wait3A_118 : memref<1x10000xf32, #tpu.memory_space<hbm>> -> memref<10000xf32, #tpu.memory_space<hbm>>
    %dma_wait3A_120 = arith.constant 0 : i32
    %dma_wait3A_121 = tpu.memref_slice %arg4[%add3A, %dma_wait3A_120] : memref<50x10000xf32, #tpu.memory_space<hbm>> -> memref<1x10000xf32, #tpu.memory_space<hbm>>
    %dma_wait3A_122 = tpu.memref_squeeze %dma_wait3A_121 : memref<1x10000xf32, #tpu.memory_space<hbm>> -> memref<10000xf32, #tpu.memory_space<hbm>>
    tpu.wait_dma2 semaphore(%arg18 : memref<!tpu.dma_semaphore, #tpu.memory_space<semaphore_mem>>) src(%arg9 : memref<10000xf32, #tpu.memory_space<vmem>>) dst(%dma_wait3A_122 : memref<10000xf32, #tpu.memory_space<hbm>>)
    %dma_wait3A_123 = arith.constant 0 : i32
    %dma_wait3A_124 = tpu.memref_slice %arg5[%add3A, %dma_wait3A_123] : memref<50x10000xf32, #tpu.memory_space<hbm>> -> memref<1x10000xf32, #tpu.memory_space<hbm>>
    %dma_wait3A_125 = tpu.memref_squeeze %dma_wait3A_124 : memref<1x10000xf32, #tpu.memory_space<hbm>> -> memref<10000xf32, #tpu.memory_space<hbm>>
    %dma_wait3A_126 = arith.constant 0 : i32
    %dma_wait3A_127 = tpu.memref_slice %arg5[%add3A, %dma_wait3A_126] : memref<50x10000xf32, #tpu.memory_space<hbm>> -> memref<1x10000xf32, #tpu.memory_space<hbm>>
    %dma_wait3A_128 = tpu.memref_squeeze %dma_wait3A_127 : memref<1x10000xf32, #tpu.memory_space<hbm>> -> memref<10000xf32, #tpu.memory_space<hbm>>
    tpu.wait_dma2 semaphore(%arg18 : memref<!tpu.dma_semaphore, #tpu.memory_space<semaphore_mem>>) src(%arg10 : memref<10000xf32, #tpu.memory_space<vmem>>) dst(%dma_wait3A_128 : memref<10000xf32, #tpu.memory_space<hbm>>)
    %dma_wait3A_129 = arith.constant 0 : i32
    %dma_wait3A_130 = tpu.memref_slice %arg4[%select_n3A, %dma_wait3A_129] : memref<50x10000xf32, #tpu.memory_space<hbm>> -> memref<1x10000xf32, #tpu.memory_space<hbm>>
    %dma_wait3A_131 = tpu.memref_squeeze %dma_wait3A_130 : memref<1x10000xf32, #tpu.memory_space<hbm>> -> memref<10000xf32, #tpu.memory_space<hbm>>
    %dma_wait3A_132 = arith.constant 0 : i32
    %dma_wait3A_133 = tpu.memref_slice %arg4[%select_n3A, %dma_wait3A_132] : memref<50x10000xf32, #tpu.memory_space<hbm>> -> memref<1x10000xf32, #tpu.memory_space<hbm>>
    %dma_wait3A_134 = tpu.memref_squeeze %dma_wait3A_133 : memref<1x10000xf32, #tpu.memory_space<hbm>> -> memref<10000xf32, #tpu.memory_space<hbm>>
    tpu.wait_dma2 semaphore(%arg18 : memref<!tpu.dma_semaphore, #tpu.memory_space<semaphore_mem>>) src(%arg14 : memref<10000xf32, #tpu.memory_space<vmem>>) dst(%dma_wait3A_134 : memref<10000xf32, #tpu.memory_space<hbm>>)
    %dma_wait3A_135 = arith.constant 0 : i32
    %dma_wait3A_136 = tpu.memref_slice %arg5[%select_n3A, %dma_wait3A_135] : memref<50x10000xf32, #tpu.memory_space<hbm>> -> memref<1x10000xf32, #tpu.memory_space<hbm>>
    %dma_wait3A_137 = tpu.memref_squeeze %dma_wait3A_136 : memref<1x10000xf32, #tpu.memory_space<hbm>> -> memref<10000xf32, #tpu.memory_space<hbm>>
    %dma_wait3A_138 = arith.constant 0 : i32
    %dma_wait3A_139 = tpu.memref_slice %arg5[%select_n3A, %dma_wait3A_138] : memref<50x10000xf32, #tpu.memory_space<hbm>> -> memref<1x10000xf32, #tpu.memory_space<hbm>>
    %dma_wait3A_140 = tpu.memref_squeeze %dma_wait3A_139 : memref<1x10000xf32, #tpu.memory_space<hbm>> -> memref<10000xf32, #tpu.memory_space<hbm>>
    tpu.wait_dma2 semaphore(%arg18 : memref<!tpu.dma_semaphore, #tpu.memory_space<semaphore_mem>>) src(%arg15 : memref<10000xf32, #tpu.memory_space<vmem>>) dst(%dma_wait3A_140 : memref<10000xf32, #tpu.memory_space<hbm>>)
    return
  }
}

module attributes {stable_mosaic.version = 14 : i64} {
  func.func @_fused_body(%arg0: memref<50x100x100xf32, #tpu.memory_space<vmem>>, %arg1: memref<5000x100xf32, #tpu.memory_space<vmem>>, %arg2: memref<5000x128xf32, #tpu.memory_space<vmem>>, %arg3: memref<128x2xf32, #tpu.memory_space<vmem>>, %arg4: memref<50x80x128xf32, #tpu.memory_space<vmem>>, %arg5: memref<50x80x80xf32, #tpu.memory_space<vmem>>, %arg6: memref<5000x80xf32, #tpu.memory_space<vmem>>, %arg7: memref<5000x2xf32, #tpu.memory_space<vmem>>) attributes {dimension_semantics = [], scalar_prefetch = 0 : i64, scratch_operands = 2 : i64, tpu.core_type = #tpu.core_type<tc>} {
    %broadcast_in_dim3A = arith.constant 0.000000e+00 : f32
    %broadcast_in_dim3A_0 = vector.broadcast %broadcast_in_dim3A : f32 to vector<100x100xf32>
    %broadcast_in_dim3A_1 = arith.constant 0.000000e+00 : f32
    %broadcast_in_dim3A_2 = vector.broadcast %broadcast_in_dim3A_1 : f32 to vector<128x1xf32>
    %scan3A = arith.constant 0 : i32
    %scan3A_3 = arith.constant 25 : i32
    %scan3A_4 = arith.addi %scan3A, %scan3A_3 : i32
    %scan3A_5 = arith.constant 5 : i32
    %scan3A_6 = scf.for %scan3A_120 = %scan3A to %scan3A_4 step %scan3A_5 iter_args(%scan3A_121 = %broadcast_in_dim3A_2) -> (vector<128x1xf32>)  : i32 {
      %mul3A_122 = arith.constant 2 : i32
      %mul3A_123 = arith.muli %mul3A_122, %scan3A_120 : i32
      %get3A_124 = arith.index_cast %mul3A_123 : i32 to index
      %get3A_125 = arith.constant 0 : index
      %get3A_126 = arith.constant 0 : index
      %get3A_127 = vector.load %arg0[%get3A_124, %get3A_125, %get3A_126] : memref<50x100x100xf32, #tpu.memory_space<vmem>>, vector<1x100x100xf32>
      %get3A_128 = vector.shape_cast %get3A_127 : vector<1x100x100xf32> to vector<100x100xf32>
      %concatenate3A_129 = tpu.concatenate %get3A_128, %broadcast_in_dim3A_0 in 1 : vector<100x100xf32>, vector<100x100xf32> -> vector<100x200xf32>
      %add3A_130 = arith.constant 1 : i32
      %add3A_131 = arith.addi %mul3A_123, %add3A_130 : i32
      %get3A_132 = arith.index_cast %add3A_131 : i32 to index
      %get3A_133 = arith.constant 0 : index
      %get3A_134 = arith.constant 0 : index
      %get3A_135 = vector.load %arg0[%get3A_132, %get3A_133, %get3A_134] : memref<50x100x100xf32, #tpu.memory_space<vmem>>, vector<1x100x100xf32>
      %get3A_136 = vector.shape_cast %get3A_135 : vector<1x100x100xf32> to vector<100x100xf32>
      %concatenate3A_137 = tpu.concatenate %broadcast_in_dim3A_0, %get3A_136 in 1 : vector<100x100xf32>, vector<100x100xf32> -> vector<100x200xf32>
      %concatenate3A_138 = tpu.concatenate %concatenate3A_129, %concatenate3A_137 in 0 : vector<100x200xf32>, vector<100x200xf32> -> vector<200x200xf32>
      %mul3A_139 = arith.constant 100 : i32
      %mul3A_140 = arith.muli %mul3A_123, %mul3A_139 : i32
      %get3A_141 = arith.index_cast %mul3A_140 : i32 to index
      %get3A_142 = arith.constant 0 : index
      %get3A_143 = vector.load %arg1[%get3A_141, %get3A_142] : memref<5000x100xf32, #tpu.memory_space<vmem>>, vector<200x100xf32>
      %mul3A_144 = arith.constant 100 : i32
      %mul3A_145 = arith.muli %mul3A_123, %mul3A_144 : i32
      %get3A_146 = arith.index_cast %mul3A_145 : i32 to index
      %get3A_147 = arith.constant 0 : index
      %get3A_148 = vector.load %arg2[%get3A_146, %get3A_147] : memref<5000x128xf32, #tpu.memory_space<vmem>>, vector<200x128xf32>
      %reduce_sum3A_149 = arith.constant dense<0.000000e+00> : vector<200xf32>
      %reduce_sum3A_150 = vector.multi_reduction <add>, %get3A_143, %reduce_sum3A_149 [1] : vector<200x100xf32> to vector<200xf32>
      %broadcast_in_dim3A_151 = vector.shape_cast %reduce_sum3A_150 : vector<200xf32> to vector<200x1xf32>
      %gt3A_152 = arith.constant 0.000000e+00 : f32
      %gt3A_153 = vector.broadcast %gt3A_152 : f32 to vector<200x1xf32>
      %gt3A_154 = arith.cmpf ogt, %broadcast_in_dim3A_151, %gt3A_153 : vector<200x1xf32>
      %jit3A_155 = arith.constant 1.000000e+00 : f32
      %broadcast_in_dim3A_156 = vector.broadcast %jit3A_155 : f32 to vector<200x1xf32>
      %select_n3A_157 = arith.select %gt3A_154, %broadcast_in_dim3A_151, %broadcast_in_dim3A_156 : vector<200x1xi1>, vector<200x1xf32>
      %gt3A_158 = arith.constant 0.000000e+00 : f32
      %gt3A_159 = vector.broadcast %gt3A_158 : f32 to vector<200x1xf32>
      %gt3A_160 = arith.cmpf ogt, %broadcast_in_dim3A_151, %gt3A_159 : vector<200x1xf32>
      %rsqrt3A = math.rsqrt %select_n3A_157 : vector<200x1xf32>
      %jit3A_161 = arith.constant 0.000000e+00 : f32
      %broadcast_in_dim3A_162 = vector.broadcast %jit3A_161 : f32 to vector<200x1xf32>
      %select_n3A_163 = arith.select %gt3A_160, %rsqrt3A, %broadcast_in_dim3A_162 : vector<200x1xi1>, vector<200x1xf32>
      %mul3A_164 = vector.broadcast %select_n3A_163 : vector<200x1xf32> to vector<200x128xf32>
      %mul3A_165 = arith.mulf %get3A_148, %mul3A_164 : vector<200x128xf32>
      %convert_element_type3A_166 = arith.truncf %concatenate3A_138 : vector<200x200xf32> to vector<200x200xbf16>
      %convert_element_type3A_167 = arith.extf %convert_element_type3A_166 : vector<200x200xbf16> to vector<200x200xf32>
      %sub3A_168 = arith.subf %concatenate3A_138, %convert_element_type3A_167 : vector<200x200xf32>
      %convert_element_type3A_169 = arith.truncf %mul3A_165 : vector<200x128xf32> to vector<200x128xbf16>
      %convert_element_type3A_170 = arith.extf %convert_element_type3A_169 : vector<200x128xbf16> to vector<200x128xf32>
      %sub3A_171 = arith.subf %mul3A_165, %convert_element_type3A_170 : vector<200x128xf32>
      %dot_general3A_172 = arith.constant dense<0.000000e+00> : vector<200x128xf32>
      %dot_general3A_173 = tpu.matmul %convert_element_type3A_167, %convert_element_type3A_170, %dot_general3A_172 {dimension_numbers = #tpu.dot_dimension_numbers<[1], [0], [0], [1], [0, 0, 1, 1], [], []>, transpose_lhs_hint = false} : vector<200x200xf32>, vector<200x128xf32>, vector<200x128xf32> -> vector<200x128xf32>
      %dot_general3A_174 = arith.constant dense<0.000000e+00> : vector<200x128xf32>
      %dot_general3A_175 = tpu.matmul %convert_element_type3A_167, %sub3A_171, %dot_general3A_174 {dimension_numbers = #tpu.dot_dimension_numbers<[1], [0], [0], [1], [0, 0, 1, 1], [], []>, transpose_lhs_hint = false} : vector<200x200xf32>, vector<200x128xf32>, vector<200x128xf32> -> vector<200x128xf32>
      %dot_general3A_176 = arith.constant dense<0.000000e+00> : vector<200x128xf32>
      %dot_general3A_177 = tpu.matmul %sub3A_168, %convert_element_type3A_170, %dot_general3A_176 {dimension_numbers = #tpu.dot_dimension_numbers<[1], [0], [0], [1], [0, 0, 1, 1], [], []>, transpose_lhs_hint = false} : vector<200x200xf32>, vector<200x128xf32>, vector<200x128xf32> -> vector<200x128xf32>
      %add3A_178 = arith.addf %dot_general3A_175, %dot_general3A_177 : vector<200x128xf32>
      %add3A_179 = arith.addf %dot_general3A_173, %add3A_178 : vector<200x128xf32>
      %mul3A_180 = vector.broadcast %select_n3A_163 : vector<200x1xf32> to vector<200x128xf32>
      %mul3A_181 = arith.mulf %add3A_179, %mul3A_180 : vector<200x128xf32>
      %add3A_182 = arith.addf %mul3A_181, %get3A_148 : vector<200x128xf32>
      %abs3A = math.absf %add3A_182 : vector<200x128xf32>
      %reduce_sum3A_183 = arith.constant dense<0.000000e+00> : vector<200xf32>
      %reduce_sum3A_184 = vector.multi_reduction <add>, %abs3A, %reduce_sum3A_183 [1] : vector<200x128xf32> to vector<200xf32>
      %broadcast_in_dim3A_185 = vector.shape_cast %reduce_sum3A_184 : vector<200xf32> to vector<200x1xf32>
      %slice3A_186 = vector.extract_strided_slice %broadcast_in_dim3A_185 {offsets = [0, 0], sizes = [100, 1], strides = [1, 1]} : vector<200x1xf32> to vector<100x1xf32>
      %slice3A_187 = vector.extract_strided_slice %broadcast_in_dim3A_185 {offsets = [100, 0], sizes = [100, 1], strides = [1, 1]} : vector<200x1xf32> to vector<100x1xf32>
      %add3A_188 = arith.addf %slice3A_186, %slice3A_187 : vector<100x1xf32>
      %broadcast_in_dim3A_189 = arith.constant 0.000000e+00 : f32
      %broadcast_in_dim3A_190 = vector.broadcast %broadcast_in_dim3A_189 : f32 to vector<28x1xf32>
      %concatenate3A_191 = tpu.concatenate %add3A_188, %broadcast_in_dim3A_190 in 0 : vector<100x1xf32>, vector<28x1xf32> -> vector<128x1xf32>
      %add3A_192 = arith.addf %scan3A_121, %concatenate3A_191 : vector<128x1xf32>
      %scan3A_193 = arith.constant 1 : i32
      %scan3A_194 = arith.addi %scan3A_120, %scan3A_193 : i32
      %mul3A_195 = arith.constant 2 : i32
      %mul3A_196 = arith.muli %mul3A_195, %scan3A_194 : i32
      %get3A_197 = arith.index_cast %mul3A_196 : i32 to index
      %get3A_198 = arith.constant 0 : index
      %get3A_199 = arith.constant 0 : index
      %get3A_200 = vector.load %arg0[%get3A_197, %get3A_198, %get3A_199] : memref<50x100x100xf32, #tpu.memory_space<vmem>>, vector<1x100x100xf32>
      %get3A_201 = vector.shape_cast %get3A_200 : vector<1x100x100xf32> to vector<100x100xf32>
      %concatenate3A_202 = tpu.concatenate %get3A_201, %broadcast_in_dim3A_0 in 1 : vector<100x100xf32>, vector<100x100xf32> -> vector<100x200xf32>
      %add3A_203 = arith.constant 1 : i32
      %add3A_204 = arith.addi %mul3A_196, %add3A_203 : i32
      %get3A_205 = arith.index_cast %add3A_204 : i32 to index
      %get3A_206 = arith.constant 0 : index
      %get3A_207 = arith.constant 0 : index
      %get3A_208 = vector.load %arg0[%get3A_205, %get3A_206, %get3A_207] : memref<50x100x100xf32, #tpu.memory_space<vmem>>, vector<1x100x100xf32>
      %get3A_209 = vector.shape_cast %get3A_208 : vector<1x100x100xf32> to vector<100x100xf32>
      %concatenate3A_210 = tpu.concatenate %broadcast_in_dim3A_0, %get3A_209 in 1 : vector<100x100xf32>, vector<100x100xf32> -> vector<100x200xf32>
      %concatenate3A_211 = tpu.concatenate %concatenate3A_202, %concatenate3A_210 in 0 : vector<100x200xf32>, vector<100x200xf32> -> vector<200x200xf32>
      %mul3A_212 = arith.constant 100 : i32
      %mul3A_213 = arith.muli %mul3A_196, %mul3A_212 : i32
      %get3A_214 = arith.index_cast %mul3A_213 : i32 to index
      %get3A_215 = arith.constant 0 : index
      %get3A_216 = vector.load %arg1[%get3A_214, %get3A_215] : memref<5000x100xf32, #tpu.memory_space<vmem>>, vector<200x100xf32>
      %mul3A_217 = arith.constant 100 : i32
      %mul3A_218 = arith.muli %mul3A_196, %mul3A_217 : i32
      %get3A_219 = arith.index_cast %mul3A_218 : i32 to index
      %get3A_220 = arith.constant 0 : index
      %get3A_221 = vector.load %arg2[%get3A_219, %get3A_220] : memref<5000x128xf32, #tpu.memory_space<vmem>>, vector<200x128xf32>
      %reduce_sum3A_222 = arith.constant dense<0.000000e+00> : vector<200xf32>
      %reduce_sum3A_223 = vector.multi_reduction <add>, %get3A_216, %reduce_sum3A_222 [1] : vector<200x100xf32> to vector<200xf32>
      %broadcast_in_dim3A_224 = vector.shape_cast %reduce_sum3A_223 : vector<200xf32> to vector<200x1xf32>
      %gt3A_225 = arith.constant 0.000000e+00 : f32
      %gt3A_226 = vector.broadcast %gt3A_225 : f32 to vector<200x1xf32>
      %gt3A_227 = arith.cmpf ogt, %broadcast_in_dim3A_224, %gt3A_226 : vector<200x1xf32>
      %jit3A_228 = arith.constant 1.000000e+00 : f32
      %broadcast_in_dim3A_229 = vector.broadcast %jit3A_228 : f32 to vector<200x1xf32>
      %select_n3A_230 = arith.select %gt3A_227, %broadcast_in_dim3A_224, %broadcast_in_dim3A_229 : vector<200x1xi1>, vector<200x1xf32>
      %gt3A_231 = arith.constant 0.000000e+00 : f32
      %gt3A_232 = vector.broadcast %gt3A_231 : f32 to vector<200x1xf32>
      %gt3A_233 = arith.cmpf ogt, %broadcast_in_dim3A_224, %gt3A_232 : vector<200x1xf32>
      %rsqrt3A_234 = math.rsqrt %select_n3A_230 : vector<200x1xf32>
      %jit3A_235 = arith.constant 0.000000e+00 : f32
      %broadcast_in_dim3A_236 = vector.broadcast %jit3A_235 : f32 to vector<200x1xf32>
      %select_n3A_237 = arith.select %gt3A_233, %rsqrt3A_234, %broadcast_in_dim3A_236 : vector<200x1xi1>, vector<200x1xf32>
      %mul3A_238 = vector.broadcast %select_n3A_237 : vector<200x1xf32> to vector<200x128xf32>
      %mul3A_239 = arith.mulf %get3A_221, %mul3A_238 : vector<200x128xf32>
      %convert_element_type3A_240 = arith.truncf %concatenate3A_211 : vector<200x200xf32> to vector<200x200xbf16>
      %convert_element_type3A_241 = arith.extf %convert_element_type3A_240 : vector<200x200xbf16> to vector<200x200xf32>
      %sub3A_242 = arith.subf %concatenate3A_211, %convert_element_type3A_241 : vector<200x200xf32>
      %convert_element_type3A_243 = arith.truncf %mul3A_239 : vector<200x128xf32> to vector<200x128xbf16>
      %convert_element_type3A_244 = arith.extf %convert_element_type3A_243 : vector<200x128xbf16> to vector<200x128xf32>
      %sub3A_245 = arith.subf %mul3A_239, %convert_element_type3A_244 : vector<200x128xf32>
      %dot_general3A_246 = arith.constant dense<0.000000e+00> : vector<200x128xf32>
      %dot_general3A_247 = tpu.matmul %convert_element_type3A_241, %convert_element_type3A_244, %dot_general3A_246 {dimension_numbers = #tpu.dot_dimension_numbers<[1], [0], [0], [1], [0, 0, 1, 1], [], []>, transpose_lhs_hint = false} : vector<200x200xf32>, vector<200x128xf32>, vector<200x128xf32> -> vector<200x128xf32>
      %dot_general3A_248 = arith.constant dense<0.000000e+00> : vector<200x128xf32>
      %dot_general3A_249 = tpu.matmul %convert_element_type3A_241, %sub3A_245, %dot_general3A_248 {dimension_numbers = #tpu.dot_dimension_numbers<[1], [0], [0], [1], [0, 0, 1, 1], [], []>, transpose_lhs_hint = false} : vector<200x200xf32>, vector<200x128xf32>, vector<200x128xf32> -> vector<200x128xf32>
      %dot_general3A_250 = arith.constant dense<0.000000e+00> : vector<200x128xf32>
      %dot_general3A_251 = tpu.matmul %sub3A_242, %convert_element_type3A_244, %dot_general3A_250 {dimension_numbers = #tpu.dot_dimension_numbers<[1], [0], [0], [1], [0, 0, 1, 1], [], []>, transpose_lhs_hint = false} : vector<200x200xf32>, vector<200x128xf32>, vector<200x128xf32> -> vector<200x128xf32>
      %add3A_252 = arith.addf %dot_general3A_249, %dot_general3A_251 : vector<200x128xf32>
      %add3A_253 = arith.addf %dot_general3A_247, %add3A_252 : vector<200x128xf32>
      %mul3A_254 = vector.broadcast %select_n3A_237 : vector<200x1xf32> to vector<200x128xf32>
      %mul3A_255 = arith.mulf %add3A_253, %mul3A_254 : vector<200x128xf32>
      %add3A_256 = arith.addf %mul3A_255, %get3A_221 : vector<200x128xf32>
      %abs3A_257 = math.absf %add3A_256 : vector<200x128xf32>
      %reduce_sum3A_258 = arith.constant dense<0.000000e+00> : vector<200xf32>
      %reduce_sum3A_259 = vector.multi_reduction <add>, %abs3A_257, %reduce_sum3A_258 [1] : vector<200x128xf32> to vector<200xf32>
      %broadcast_in_dim3A_260 = vector.shape_cast %reduce_sum3A_259 : vector<200xf32> to vector<200x1xf32>
      %slice3A_261 = vector.extract_strided_slice %broadcast_in_dim3A_260 {offsets = [0, 0], sizes = [100, 1], strides = [1, 1]} : vector<200x1xf32> to vector<100x1xf32>
      %slice3A_262 = vector.extract_strided_slice %broadcast_in_dim3A_260 {offsets = [100, 0], sizes = [100, 1], strides = [1, 1]} : vector<200x1xf32> to vector<100x1xf32>
      %add3A_263 = arith.addf %slice3A_261, %slice3A_262 : vector<100x1xf32>
      %broadcast_in_dim3A_264 = arith.constant 0.000000e+00 : f32
      %broadcast_in_dim3A_265 = vector.broadcast %broadcast_in_dim3A_264 : f32 to vector<28x1xf32>
      %concatenate3A_266 = tpu.concatenate %add3A_263, %broadcast_in_dim3A_265 in 0 : vector<100x1xf32>, vector<28x1xf32> -> vector<128x1xf32>
      %add3A_267 = arith.addf %add3A_192, %concatenate3A_266 : vector<128x1xf32>
      %scan3A_268 = arith.constant 2 : i32
      %scan3A_269 = arith.addi %scan3A_120, %scan3A_268 : i32
      %mul3A_270 = arith.constant 2 : i32
      %mul3A_271 = arith.muli %mul3A_270, %scan3A_269 : i32
      %get3A_272 = arith.index_cast %mul3A_271 : i32 to index
      %get3A_273 = arith.constant 0 : index
      %get3A_274 = arith.constant 0 : index
      %get3A_275 = vector.load %arg0[%get3A_272, %get3A_273, %get3A_274] : memref<50x100x100xf32, #tpu.memory_space<vmem>>, vector<1x100x100xf32>
      %get3A_276 = vector.shape_cast %get3A_275 : vector<1x100x100xf32> to vector<100x100xf32>
      %concatenate3A_277 = tpu.concatenate %get3A_276, %broadcast_in_dim3A_0 in 1 : vector<100x100xf32>, vector<100x100xf32> -> vector<100x200xf32>
      %add3A_278 = arith.constant 1 : i32
      %add3A_279 = arith.addi %mul3A_271, %add3A_278 : i32
      %get3A_280 = arith.index_cast %add3A_279 : i32 to index
      %get3A_281 = arith.constant 0 : index
      %get3A_282 = arith.constant 0 : index
      %get3A_283 = vector.load %arg0[%get3A_280, %get3A_281, %get3A_282] : memref<50x100x100xf32, #tpu.memory_space<vmem>>, vector<1x100x100xf32>
      %get3A_284 = vector.shape_cast %get3A_283 : vector<1x100x100xf32> to vector<100x100xf32>
      %concatenate3A_285 = tpu.concatenate %broadcast_in_dim3A_0, %get3A_284 in 1 : vector<100x100xf32>, vector<100x100xf32> -> vector<100x200xf32>
      %concatenate3A_286 = tpu.concatenate %concatenate3A_277, %concatenate3A_285 in 0 : vector<100x200xf32>, vector<100x200xf32> -> vector<200x200xf32>
      %mul3A_287 = arith.constant 100 : i32
      %mul3A_288 = arith.muli %mul3A_271, %mul3A_287 : i32
      %get3A_289 = arith.index_cast %mul3A_288 : i32 to index
      %get3A_290 = arith.constant 0 : index
      %get3A_291 = vector.load %arg1[%get3A_289, %get3A_290] : memref<5000x100xf32, #tpu.memory_space<vmem>>, vector<200x100xf32>
      %mul3A_292 = arith.constant 100 : i32
      %mul3A_293 = arith.muli %mul3A_271, %mul3A_292 : i32
      %get3A_294 = arith.index_cast %mul3A_293 : i32 to index
      %get3A_295 = arith.constant 0 : index
      %get3A_296 = vector.load %arg2[%get3A_294, %get3A_295] : memref<5000x128xf32, #tpu.memory_space<vmem>>, vector<200x128xf32>
      %reduce_sum3A_297 = arith.constant dense<0.000000e+00> : vector<200xf32>
      %reduce_sum3A_298 = vector.multi_reduction <add>, %get3A_291, %reduce_sum3A_297 [1] : vector<200x100xf32> to vector<200xf32>
      %broadcast_in_dim3A_299 = vector.shape_cast %reduce_sum3A_298 : vector<200xf32> to vector<200x1xf32>
      %gt3A_300 = arith.constant 0.000000e+00 : f32
      %gt3A_301 = vector.broadcast %gt3A_300 : f32 to vector<200x1xf32>
      %gt3A_302 = arith.cmpf ogt, %broadcast_in_dim3A_299, %gt3A_301 : vector<200x1xf32>
      %jit3A_303 = arith.constant 1.000000e+00 : f32
      %broadcast_in_dim3A_304 = vector.broadcast %jit3A_303 : f32 to vector<200x1xf32>
      %select_n3A_305 = arith.select %gt3A_302, %broadcast_in_dim3A_299, %broadcast_in_dim3A_304 : vector<200x1xi1>, vector<200x1xf32>
      %gt3A_306 = arith.constant 0.000000e+00 : f32
      %gt3A_307 = vector.broadcast %gt3A_306 : f32 to vector<200x1xf32>
      %gt3A_308 = arith.cmpf ogt, %broadcast_in_dim3A_299, %gt3A_307 : vector<200x1xf32>
      %rsqrt3A_309 = math.rsqrt %select_n3A_305 : vector<200x1xf32>
      %jit3A_310 = arith.constant 0.000000e+00 : f32
      %broadcast_in_dim3A_311 = vector.broadcast %jit3A_310 : f32 to vector<200x1xf32>
      %select_n3A_312 = arith.select %gt3A_308, %rsqrt3A_309, %broadcast_in_dim3A_311 : vector<200x1xi1>, vector<200x1xf32>
      %mul3A_313 = vector.broadcast %select_n3A_312 : vector<200x1xf32> to vector<200x128xf32>
      %mul3A_314 = arith.mulf %get3A_296, %mul3A_313 : vector<200x128xf32>
      %convert_element_type3A_315 = arith.truncf %concatenate3A_286 : vector<200x200xf32> to vector<200x200xbf16>
      %convert_element_type3A_316 = arith.extf %convert_element_type3A_315 : vector<200x200xbf16> to vector<200x200xf32>
      %sub3A_317 = arith.subf %concatenate3A_286, %convert_element_type3A_316 : vector<200x200xf32>
      %convert_element_type3A_318 = arith.truncf %mul3A_314 : vector<200x128xf32> to vector<200x128xbf16>
      %convert_element_type3A_319 = arith.extf %convert_element_type3A_318 : vector<200x128xbf16> to vector<200x128xf32>
      %sub3A_320 = arith.subf %mul3A_314, %convert_element_type3A_319 : vector<200x128xf32>
      %dot_general3A_321 = arith.constant dense<0.000000e+00> : vector<200x128xf32>
      %dot_general3A_322 = tpu.matmul %convert_element_type3A_316, %convert_element_type3A_319, %dot_general3A_321 {dimension_numbers = #tpu.dot_dimension_numbers<[1], [0], [0], [1], [0, 0, 1, 1], [], []>, transpose_lhs_hint = false} : vector<200x200xf32>, vector<200x128xf32>, vector<200x128xf32> -> vector<200x128xf32>
      %dot_general3A_323 = arith.constant dense<0.000000e+00> : vector<200x128xf32>
      %dot_general3A_324 = tpu.matmul %convert_element_type3A_316, %sub3A_320, %dot_general3A_323 {dimension_numbers = #tpu.dot_dimension_numbers<[1], [0], [0], [1], [0, 0, 1, 1], [], []>, transpose_lhs_hint = false} : vector<200x200xf32>, vector<200x128xf32>, vector<200x128xf32> -> vector<200x128xf32>
      %dot_general3A_325 = arith.constant dense<0.000000e+00> : vector<200x128xf32>
      %dot_general3A_326 = tpu.matmul %sub3A_317, %convert_element_type3A_319, %dot_general3A_325 {dimension_numbers = #tpu.dot_dimension_numbers<[1], [0], [0], [1], [0, 0, 1, 1], [], []>, transpose_lhs_hint = false} : vector<200x200xf32>, vector<200x128xf32>, vector<200x128xf32> -> vector<200x128xf32>
      %add3A_327 = arith.addf %dot_general3A_324, %dot_general3A_326 : vector<200x128xf32>
      %add3A_328 = arith.addf %dot_general3A_322, %add3A_327 : vector<200x128xf32>
      %mul3A_329 = vector.broadcast %select_n3A_312 : vector<200x1xf32> to vector<200x128xf32>
      %mul3A_330 = arith.mulf %add3A_328, %mul3A_329 : vector<200x128xf32>
      %add3A_331 = arith.addf %mul3A_330, %get3A_296 : vector<200x128xf32>
      %abs3A_332 = math.absf %add3A_331 : vector<200x128xf32>
      %reduce_sum3A_333 = arith.constant dense<0.000000e+00> : vector<200xf32>
      %reduce_sum3A_334 = vector.multi_reduction <add>, %abs3A_332, %reduce_sum3A_333 [1] : vector<200x128xf32> to vector<200xf32>
      %broadcast_in_dim3A_335 = vector.shape_cast %reduce_sum3A_334 : vector<200xf32> to vector<200x1xf32>
      %slice3A_336 = vector.extract_strided_slice %broadcast_in_dim3A_335 {offsets = [0, 0], sizes = [100, 1], strides = [1, 1]} : vector<200x1xf32> to vector<100x1xf32>
      %slice3A_337 = vector.extract_strided_slice %broadcast_in_dim3A_335 {offsets = [100, 0], sizes = [100, 1], strides = [1, 1]} : vector<200x1xf32> to vector<100x1xf32>
      %add3A_338 = arith.addf %slice3A_336, %slice3A_337 : vector<100x1xf32>
      %broadcast_in_dim3A_339 = arith.constant 0.000000e+00 : f32
      %broadcast_in_dim3A_340 = vector.broadcast %broadcast_in_dim3A_339 : f32 to vector<28x1xf32>
      %concatenate3A_341 = tpu.concatenate %add3A_338, %broadcast_in_dim3A_340 in 0 : vector<100x1xf32>, vector<28x1xf32> -> vector<128x1xf32>
      %add3A_342 = arith.addf %add3A_267, %concatenate3A_341 : vector<128x1xf32>
      %scan3A_343 = arith.constant 3 : i32
      %scan3A_344 = arith.addi %scan3A_120, %scan3A_343 : i32
      %mul3A_345 = arith.constant 2 : i32
      %mul3A_346 = arith.muli %mul3A_345, %scan3A_344 : i32
      %get3A_347 = arith.index_cast %mul3A_346 : i32 to index
      %get3A_348 = arith.constant 0 : index
      %get3A_349 = arith.constant 0 : index
      %get3A_350 = vector.load %arg0[%get3A_347, %get3A_348, %get3A_349] : memref<50x100x100xf32, #tpu.memory_space<vmem>>, vector<1x100x100xf32>
      %get3A_351 = vector.shape_cast %get3A_350 : vector<1x100x100xf32> to vector<100x100xf32>
      %concatenate3A_352 = tpu.concatenate %get3A_351, %broadcast_in_dim3A_0 in 1 : vector<100x100xf32>, vector<100x100xf32> -> vector<100x200xf32>
      %add3A_353 = arith.constant 1 : i32
      %add3A_354 = arith.addi %mul3A_346, %add3A_353 : i32
      %get3A_355 = arith.index_cast %add3A_354 : i32 to index
      %get3A_356 = arith.constant 0 : index
      %get3A_357 = arith.constant 0 : index
      %get3A_358 = vector.load %arg0[%get3A_355, %get3A_356, %get3A_357] : memref<50x100x100xf32, #tpu.memory_space<vmem>>, vector<1x100x100xf32>
      %get3A_359 = vector.shape_cast %get3A_358 : vector<1x100x100xf32> to vector<100x100xf32>
      %concatenate3A_360 = tpu.concatenate %broadcast_in_dim3A_0, %get3A_359 in 1 : vector<100x100xf32>, vector<100x100xf32> -> vector<100x200xf32>
      %concatenate3A_361 = tpu.concatenate %concatenate3A_352, %concatenate3A_360 in 0 : vector<100x200xf32>, vector<100x200xf32> -> vector<200x200xf32>
      %mul3A_362 = arith.constant 100 : i32
      %mul3A_363 = arith.muli %mul3A_346, %mul3A_362 : i32
      %get3A_364 = arith.index_cast %mul3A_363 : i32 to index
      %get3A_365 = arith.constant 0 : index
      %get3A_366 = vector.load %arg1[%get3A_364, %get3A_365] : memref<5000x100xf32, #tpu.memory_space<vmem>>, vector<200x100xf32>
      %mul3A_367 = arith.constant 100 : i32
      %mul3A_368 = arith.muli %mul3A_346, %mul3A_367 : i32
      %get3A_369 = arith.index_cast %mul3A_368 : i32 to index
      %get3A_370 = arith.constant 0 : index
      %get3A_371 = vector.load %arg2[%get3A_369, %get3A_370] : memref<5000x128xf32, #tpu.memory_space<vmem>>, vector<200x128xf32>
      %reduce_sum3A_372 = arith.constant dense<0.000000e+00> : vector<200xf32>
      %reduce_sum3A_373 = vector.multi_reduction <add>, %get3A_366, %reduce_sum3A_372 [1] : vector<200x100xf32> to vector<200xf32>
      %broadcast_in_dim3A_374 = vector.shape_cast %reduce_sum3A_373 : vector<200xf32> to vector<200x1xf32>
      %gt3A_375 = arith.constant 0.000000e+00 : f32
      %gt3A_376 = vector.broadcast %gt3A_375 : f32 to vector<200x1xf32>
      %gt3A_377 = arith.cmpf ogt, %broadcast_in_dim3A_374, %gt3A_376 : vector<200x1xf32>
      %jit3A_378 = arith.constant 1.000000e+00 : f32
      %broadcast_in_dim3A_379 = vector.broadcast %jit3A_378 : f32 to vector<200x1xf32>
      %select_n3A_380 = arith.select %gt3A_377, %broadcast_in_dim3A_374, %broadcast_in_dim3A_379 : vector<200x1xi1>, vector<200x1xf32>
      %gt3A_381 = arith.constant 0.000000e+00 : f32
      %gt3A_382 = vector.broadcast %gt3A_381 : f32 to vector<200x1xf32>
      %gt3A_383 = arith.cmpf ogt, %broadcast_in_dim3A_374, %gt3A_382 : vector<200x1xf32>
      %rsqrt3A_384 = math.rsqrt %select_n3A_380 : vector<200x1xf32>
      %jit3A_385 = arith.constant 0.000000e+00 : f32
      %broadcast_in_dim3A_386 = vector.broadcast %jit3A_385 : f32 to vector<200x1xf32>
      %select_n3A_387 = arith.select %gt3A_383, %rsqrt3A_384, %broadcast_in_dim3A_386 : vector<200x1xi1>, vector<200x1xf32>
      %mul3A_388 = vector.broadcast %select_n3A_387 : vector<200x1xf32> to vector<200x128xf32>
      %mul3A_389 = arith.mulf %get3A_371, %mul3A_388 : vector<200x128xf32>
      %convert_element_type3A_390 = arith.truncf %concatenate3A_361 : vector<200x200xf32> to vector<200x200xbf16>
      %convert_element_type3A_391 = arith.extf %convert_element_type3A_390 : vector<200x200xbf16> to vector<200x200xf32>
      %sub3A_392 = arith.subf %concatenate3A_361, %convert_element_type3A_391 : vector<200x200xf32>
      %convert_element_type3A_393 = arith.truncf %mul3A_389 : vector<200x128xf32> to vector<200x128xbf16>
      %convert_element_type3A_394 = arith.extf %convert_element_type3A_393 : vector<200x128xbf16> to vector<200x128xf32>
      %sub3A_395 = arith.subf %mul3A_389, %convert_element_type3A_394 : vector<200x128xf32>
      %dot_general3A_396 = arith.constant dense<0.000000e+00> : vector<200x128xf32>
      %dot_general3A_397 = tpu.matmul %convert_element_type3A_391, %convert_element_type3A_394, %dot_general3A_396 {dimension_numbers = #tpu.dot_dimension_numbers<[1], [0], [0], [1], [0, 0, 1, 1], [], []>, transpose_lhs_hint = false} : vector<200x200xf32>, vector<200x128xf32>, vector<200x128xf32> -> vector<200x128xf32>
      %dot_general3A_398 = arith.constant dense<0.000000e+00> : vector<200x128xf32>
      %dot_general3A_399 = tpu.matmul %convert_element_type3A_391, %sub3A_395, %dot_general3A_398 {dimension_numbers = #tpu.dot_dimension_numbers<[1], [0], [0], [1], [0, 0, 1, 1], [], []>, transpose_lhs_hint = false} : vector<200x200xf32>, vector<200x128xf32>, vector<200x128xf32> -> vector<200x128xf32>
      %dot_general3A_400 = arith.constant dense<0.000000e+00> : vector<200x128xf32>
      %dot_general3A_401 = tpu.matmul %sub3A_392, %convert_element_type3A_394, %dot_general3A_400 {dimension_numbers = #tpu.dot_dimension_numbers<[1], [0], [0], [1], [0, 0, 1, 1], [], []>, transpose_lhs_hint = false} : vector<200x200xf32>, vector<200x128xf32>, vector<200x128xf32> -> vector<200x128xf32>
      %add3A_402 = arith.addf %dot_general3A_399, %dot_general3A_401 : vector<200x128xf32>
      %add3A_403 = arith.addf %dot_general3A_397, %add3A_402 : vector<200x128xf32>
      %mul3A_404 = vector.broadcast %select_n3A_387 : vector<200x1xf32> to vector<200x128xf32>
      %mul3A_405 = arith.mulf %add3A_403, %mul3A_404 : vector<200x128xf32>
      %add3A_406 = arith.addf %mul3A_405, %get3A_371 : vector<200x128xf32>
      %abs3A_407 = math.absf %add3A_406 : vector<200x128xf32>
      %reduce_sum3A_408 = arith.constant dense<0.000000e+00> : vector<200xf32>
      %reduce_sum3A_409 = vector.multi_reduction <add>, %abs3A_407, %reduce_sum3A_408 [1] : vector<200x128xf32> to vector<200xf32>
      %broadcast_in_dim3A_410 = vector.shape_cast %reduce_sum3A_409 : vector<200xf32> to vector<200x1xf32>
      %slice3A_411 = vector.extract_strided_slice %broadcast_in_dim3A_410 {offsets = [0, 0], sizes = [100, 1], strides = [1, 1]} : vector<200x1xf32> to vector<100x1xf32>
      %slice3A_412 = vector.extract_strided_slice %broadcast_in_dim3A_410 {offsets = [100, 0], sizes = [100, 1], strides = [1, 1]} : vector<200x1xf32> to vector<100x1xf32>
      %add3A_413 = arith.addf %slice3A_411, %slice3A_412 : vector<100x1xf32>
      %broadcast_in_dim3A_414 = arith.constant 0.000000e+00 : f32
      %broadcast_in_dim3A_415 = vector.broadcast %broadcast_in_dim3A_414 : f32 to vector<28x1xf32>
      %concatenate3A_416 = tpu.concatenate %add3A_413, %broadcast_in_dim3A_415 in 0 : vector<100x1xf32>, vector<28x1xf32> -> vector<128x1xf32>
      %add3A_417 = arith.addf %add3A_342, %concatenate3A_416 : vector<128x1xf32>
      %scan3A_418 = arith.constant 4 : i32
      %scan3A_419 = arith.addi %scan3A_120, %scan3A_418 : i32
      %mul3A_420 = arith.constant 2 : i32
      %mul3A_421 = arith.muli %mul3A_420, %scan3A_419 : i32
      %get3A_422 = arith.index_cast %mul3A_421 : i32 to index
      %get3A_423 = arith.constant 0 : index
      %get3A_424 = arith.constant 0 : index
      %get3A_425 = vector.load %arg0[%get3A_422, %get3A_423, %get3A_424] : memref<50x100x100xf32, #tpu.memory_space<vmem>>, vector<1x100x100xf32>
      %get3A_426 = vector.shape_cast %get3A_425 : vector<1x100x100xf32> to vector<100x100xf32>
      %concatenate3A_427 = tpu.concatenate %get3A_426, %broadcast_in_dim3A_0 in 1 : vector<100x100xf32>, vector<100x100xf32> -> vector<100x200xf32>
      %add3A_428 = arith.constant 1 : i32
      %add3A_429 = arith.addi %mul3A_421, %add3A_428 : i32
      %get3A_430 = arith.index_cast %add3A_429 : i32 to index
      %get3A_431 = arith.constant 0 : index
      %get3A_432 = arith.constant 0 : index
      %get3A_433 = vector.load %arg0[%get3A_430, %get3A_431, %get3A_432] : memref<50x100x100xf32, #tpu.memory_space<vmem>>, vector<1x100x100xf32>
      %get3A_434 = vector.shape_cast %get3A_433 : vector<1x100x100xf32> to vector<100x100xf32>
      %concatenate3A_435 = tpu.concatenate %broadcast_in_dim3A_0, %get3A_434 in 1 : vector<100x100xf32>, vector<100x100xf32> -> vector<100x200xf32>
      %concatenate3A_436 = tpu.concatenate %concatenate3A_427, %concatenate3A_435 in 0 : vector<100x200xf32>, vector<100x200xf32> -> vector<200x200xf32>
      %mul3A_437 = arith.constant 100 : i32
      %mul3A_438 = arith.muli %mul3A_421, %mul3A_437 : i32
      %get3A_439 = arith.index_cast %mul3A_438 : i32 to index
      %get3A_440 = arith.constant 0 : index
      %get3A_441 = vector.load %arg1[%get3A_439, %get3A_440] : memref<5000x100xf32, #tpu.memory_space<vmem>>, vector<200x100xf32>
      %mul3A_442 = arith.constant 100 : i32
      %mul3A_443 = arith.muli %mul3A_421, %mul3A_442 : i32
      %get3A_444 = arith.index_cast %mul3A_443 : i32 to index
      %get3A_445 = arith.constant 0 : index
      %get3A_446 = vector.load %arg2[%get3A_444, %get3A_445] : memref<5000x128xf32, #tpu.memory_space<vmem>>, vector<200x128xf32>
      %reduce_sum3A_447 = arith.constant dense<0.000000e+00> : vector<200xf32>
      %reduce_sum3A_448 = vector.multi_reduction <add>, %get3A_441, %reduce_sum3A_447 [1] : vector<200x100xf32> to vector<200xf32>
      %broadcast_in_dim3A_449 = vector.shape_cast %reduce_sum3A_448 : vector<200xf32> to vector<200x1xf32>
      %gt3A_450 = arith.constant 0.000000e+00 : f32
      %gt3A_451 = vector.broadcast %gt3A_450 : f32 to vector<200x1xf32>
      %gt3A_452 = arith.cmpf ogt, %broadcast_in_dim3A_449, %gt3A_451 : vector<200x1xf32>
      %jit3A_453 = arith.constant 1.000000e+00 : f32
      %broadcast_in_dim3A_454 = vector.broadcast %jit3A_453 : f32 to vector<200x1xf32>
      %select_n3A_455 = arith.select %gt3A_452, %broadcast_in_dim3A_449, %broadcast_in_dim3A_454 : vector<200x1xi1>, vector<200x1xf32>
      %gt3A_456 = arith.constant 0.000000e+00 : f32
      %gt3A_457 = vector.broadcast %gt3A_456 : f32 to vector<200x1xf32>
      %gt3A_458 = arith.cmpf ogt, %broadcast_in_dim3A_449, %gt3A_457 : vector<200x1xf32>
      %rsqrt3A_459 = math.rsqrt %select_n3A_455 : vector<200x1xf32>
      %jit3A_460 = arith.constant 0.000000e+00 : f32
      %broadcast_in_dim3A_461 = vector.broadcast %jit3A_460 : f32 to vector<200x1xf32>
      %select_n3A_462 = arith.select %gt3A_458, %rsqrt3A_459, %broadcast_in_dim3A_461 : vector<200x1xi1>, vector<200x1xf32>
      %mul3A_463 = vector.broadcast %select_n3A_462 : vector<200x1xf32> to vector<200x128xf32>
      %mul3A_464 = arith.mulf %get3A_446, %mul3A_463 : vector<200x128xf32>
      %convert_element_type3A_465 = arith.truncf %concatenate3A_436 : vector<200x200xf32> to vector<200x200xbf16>
      %convert_element_type3A_466 = arith.extf %convert_element_type3A_465 : vector<200x200xbf16> to vector<200x200xf32>
      %sub3A_467 = arith.subf %concatenate3A_436, %convert_element_type3A_466 : vector<200x200xf32>
      %convert_element_type3A_468 = arith.truncf %mul3A_464 : vector<200x128xf32> to vector<200x128xbf16>
      %convert_element_type3A_469 = arith.extf %convert_element_type3A_468 : vector<200x128xbf16> to vector<200x128xf32>
      %sub3A_470 = arith.subf %mul3A_464, %convert_element_type3A_469 : vector<200x128xf32>
      %dot_general3A_471 = arith.constant dense<0.000000e+00> : vector<200x128xf32>
      %dot_general3A_472 = tpu.matmul %convert_element_type3A_466, %convert_element_type3A_469, %dot_general3A_471 {dimension_numbers = #tpu.dot_dimension_numbers<[1], [0], [0], [1], [0, 0, 1, 1], [], []>, transpose_lhs_hint = false} : vector<200x200xf32>, vector<200x128xf32>, vector<200x128xf32> -> vector<200x128xf32>
      %dot_general3A_473 = arith.constant dense<0.000000e+00> : vector<200x128xf32>
      %dot_general3A_474 = tpu.matmul %convert_element_type3A_466, %sub3A_470, %dot_general3A_473 {dimension_numbers = #tpu.dot_dimension_numbers<[1], [0], [0], [1], [0, 0, 1, 1], [], []>, transpose_lhs_hint = false} : vector<200x200xf32>, vector<200x128xf32>, vector<200x128xf32> -> vector<200x128xf32>
      %dot_general3A_475 = arith.constant dense<0.000000e+00> : vector<200x128xf32>
      %dot_general3A_476 = tpu.matmul %sub3A_467, %convert_element_type3A_469, %dot_general3A_475 {dimension_numbers = #tpu.dot_dimension_numbers<[1], [0], [0], [1], [0, 0, 1, 1], [], []>, transpose_lhs_hint = false} : vector<200x200xf32>, vector<200x128xf32>, vector<200x128xf32> -> vector<200x128xf32>
      %add3A_477 = arith.addf %dot_general3A_474, %dot_general3A_476 : vector<200x128xf32>
      %add3A_478 = arith.addf %dot_general3A_472, %add3A_477 : vector<200x128xf32>
      %mul3A_479 = vector.broadcast %select_n3A_462 : vector<200x1xf32> to vector<200x128xf32>
      %mul3A_480 = arith.mulf %add3A_478, %mul3A_479 : vector<200x128xf32>
      %add3A_481 = arith.addf %mul3A_480, %get3A_446 : vector<200x128xf32>
      %abs3A_482 = math.absf %add3A_481 : vector<200x128xf32>
      %reduce_sum3A_483 = arith.constant dense<0.000000e+00> : vector<200xf32>
      %reduce_sum3A_484 = vector.multi_reduction <add>, %abs3A_482, %reduce_sum3A_483 [1] : vector<200x128xf32> to vector<200xf32>
      %broadcast_in_dim3A_485 = vector.shape_cast %reduce_sum3A_484 : vector<200xf32> to vector<200x1xf32>
      %slice3A_486 = vector.extract_strided_slice %broadcast_in_dim3A_485 {offsets = [0, 0], sizes = [100, 1], strides = [1, 1]} : vector<200x1xf32> to vector<100x1xf32>
      %slice3A_487 = vector.extract_strided_slice %broadcast_in_dim3A_485 {offsets = [100, 0], sizes = [100, 1], strides = [1, 1]} : vector<200x1xf32> to vector<100x1xf32>
      %add3A_488 = arith.addf %slice3A_486, %slice3A_487 : vector<100x1xf32>
      %broadcast_in_dim3A_489 = arith.constant 0.000000e+00 : f32
      %broadcast_in_dim3A_490 = vector.broadcast %broadcast_in_dim3A_489 : f32 to vector<28x1xf32>
      %concatenate3A_491 = tpu.concatenate %add3A_488, %broadcast_in_dim3A_490 in 0 : vector<100x1xf32>, vector<28x1xf32> -> vector<128x1xf32>
      %add3A_492 = arith.addf %add3A_417, %concatenate3A_491 : vector<128x1xf32>
      scf.yield %add3A_492 : vector<128x1xf32>
    }
    %scan3A_7 = arith.constant 25 : i32
    %mul3A = arith.constant 2.000000e-02 : f32
    %mul3A_8 = vector.broadcast %mul3A : f32 to vector<128x1xf32>
    %mul3A_9 = arith.mulf %scan3A_6, %mul3A_8 : vector<128x1xf32>
    %iota3A = tpu.iota {dimensions = array<i32: 0>} : vector<128x128xi32>
    %iota3A_10 = tpu.iota {dimensions = array<i32: 1>} : vector<128x128xi32>
    %eq3A = arith.cmpi eq, %iota3A, %iota3A_10 : vector<128x128xi32>
    %jit3A = arith.constant 1.000000e+00 : f32
    %jit3A_11 = arith.constant 0.000000e+00 : f32
    %broadcast_in_dim3A_12 = vector.broadcast %jit3A : f32 to vector<128x128xf32>
    %broadcast_in_dim3A_13 = vector.broadcast %jit3A_11 : f32 to vector<128x128xf32>
    %select_n3A = arith.select %eq3A, %broadcast_in_dim3A_12, %broadcast_in_dim3A_13 : vector<128x128xi1>, vector<128x128xf32>
    %broadcast_in_dim3A_14 = arith.constant 1.000000e+00 : f32
    %broadcast_in_dim3A_15 = vector.broadcast %broadcast_in_dim3A_14 : f32 to vector<1x128xf32>
    %mul3A_16 = vector.broadcast %mul3A_9 : vector<128x1xf32> to vector<128x128xf32>
    %mul3A_17 = arith.mulf %select_n3A, %mul3A_16 : vector<128x128xf32>
    %dot_general3A = arith.constant dense<0.000000e+00> : vector<1x128xf32>
    %dot_general3A_18 = tpu.matmul %broadcast_in_dim3A_15, %mul3A_17, %dot_general3A {dimension_numbers = #tpu.dot_dimension_numbers<[1], [0], [0], [1], [0, 0, 1, 1], [], []>, precision = #tpu.contract_precision<fp32>, transpose_lhs_hint = false} : vector<1x128xf32>, vector<128x128xf32>, vector<1x128xf32> -> vector<1x128xf32>
    %iota3A_19 = tpu.iota {dimensions = array<i32: 0>} : vector<128x128xi32>
    %iota3A_20 = tpu.iota {dimensions = array<i32: 1>} : vector<128x128xi32>
    %ne3A = arith.cmpi ne, %iota3A_19, %iota3A_20 : vector<128x128xi32>
    %gt3A = vector.broadcast %dot_general3A_18 : vector<1x128xf32> to vector<128x128xf32>
    %gt3A_21 = vector.broadcast %mul3A_9 : vector<128x1xf32> to vector<128x128xf32>
    %gt3A_22 = arith.cmpf ogt, %gt3A, %gt3A_21 : vector<128x128xf32>
    %eq3A_23 = vector.broadcast %dot_general3A_18 : vector<1x128xf32> to vector<128x128xf32>
    %eq3A_24 = vector.broadcast %mul3A_9 : vector<128x1xf32> to vector<128x128xf32>
    %eq3A_25 = arith.cmpf oeq, %eq3A_23, %eq3A_24 : vector<128x128xf32>
    %lt3A = arith.cmpi slt, %iota3A_20, %iota3A_19 : vector<128x128xi32>
    %and3A = arith.andi %eq3A_25, %lt3A : vector<128x128xi1>
    %or3A = arith.ori %gt3A_22, %and3A : vector<128x128xi1>
    %and3A_26 = arith.andi %or3A, %ne3A : vector<128x128xi1>
    %convert_element_type3A = arith.extui %and3A_26 : vector<128x128xi1> to vector<128x128xi32>
    %convert_element_type3A_27 = arith.sitofp %convert_element_type3A : vector<128x128xi32> to vector<128x128xf32>
    %reduce_sum3A = arith.constant dense<0.000000e+00> : vector<128xf32>
    %reduce_sum3A_28 = vector.multi_reduction <add>, %convert_element_type3A_27, %reduce_sum3A [1] : vector<128x128xf32> to vector<128xf32>
    %broadcast_in_dim3A_29 = vector.shape_cast %reduce_sum3A_28 : vector<128xf32> to vector<128x1xf32>
    %gt3A_30 = vector.broadcast %mul3A_9 : vector<128x1xf32> to vector<128x128xf32>
    %gt3A_31 = vector.broadcast %dot_general3A_18 : vector<1x128xf32> to vector<128x128xf32>
    %gt3A_32 = arith.cmpf ogt, %gt3A_30, %gt3A_31 : vector<128x128xf32>
    %eq3A_33 = vector.broadcast %mul3A_9 : vector<128x1xf32> to vector<128x128xf32>
    %eq3A_34 = vector.broadcast %dot_general3A_18 : vector<1x128xf32> to vector<128x128xf32>
    %eq3A_35 = arith.cmpf oeq, %eq3A_33, %eq3A_34 : vector<128x128xf32>
    %lt3A_36 = arith.cmpi slt, %iota3A_19, %iota3A_20 : vector<128x128xi32>
    %and3A_37 = arith.andi %eq3A_35, %lt3A_36 : vector<128x128xi1>
    %or3A_38 = arith.ori %gt3A_32, %and3A_37 : vector<128x128xi1>
    %and3A_39 = arith.andi %or3A_38, %ne3A : vector<128x128xi1>
    %convert_element_type3A_40 = arith.extui %and3A_39 : vector<128x128xi1> to vector<128x128xi32>
    %convert_element_type3A_41 = arith.sitofp %convert_element_type3A_40 : vector<128x128xi32> to vector<128x128xf32>
    %reduce_sum3A_42 = arith.constant dense<0.000000e+00> : vector<128xf32>
    %reduce_sum3A_43 = vector.multi_reduction <add>, %convert_element_type3A_41, %reduce_sum3A_42 [0] : vector<128x128xf32> to vector<128xf32>
    %broadcast_in_dim3A_44 = vector.shape_cast %reduce_sum3A_43 : vector<128xf32> to vector<1x128xf32>
    %iota3A_45 = tpu.iota {dimensions = array<i32: 0>} : vector<80x128xi32>
    %convert_element_type3A_46 = arith.sitofp %iota3A_45 : vector<80x128xi32> to vector<80x128xf32>
    %iota3A_47 = tpu.iota {dimensions = array<i32: 1>} : vector<128x80xi32>
    %convert_element_type3A_48 = arith.sitofp %iota3A_47 : vector<128x80xi32> to vector<128x80xf32>
    %slice3A = vector.extract_strided_slice %broadcast_in_dim3A_44 {offsets = [0, 0], sizes = [1, 100], strides = [1, 1]} : vector<1x128xf32> to vector<1x100xf32>
    %slice3A_49 = vector.extract_strided_slice %convert_element_type3A_46 {offsets = [0, 0], sizes = [80, 100], strides = [1, 1]} : vector<80x128xf32> to vector<80x100xf32>
    %eq3A_50 = vector.broadcast %slice3A : vector<1x100xf32> to vector<80x100xf32>
    %eq3A_51 = arith.cmpf oeq, %eq3A_50, %slice3A_49 : vector<80x100xf32>
    %jit3A_52 = arith.constant 1.000000e+00 : f32
    %jit3A_53 = arith.constant 0.000000e+00 : f32
    %broadcast_in_dim3A_54 = vector.broadcast %jit3A_52 : f32 to vector<80x100xf32>
    %broadcast_in_dim3A_55 = vector.broadcast %jit3A_53 : f32 to vector<80x100xf32>
    %select_n3A_56 = arith.select %eq3A_51, %broadcast_in_dim3A_54, %broadcast_in_dim3A_55 : vector<80x100xi1>, vector<80x100xf32>
    %slice3A_57 = vector.extract_strided_slice %broadcast_in_dim3A_29 {offsets = [0, 0], sizes = [100, 1], strides = [1, 1]} : vector<128x1xf32> to vector<100x1xf32>
    %slice3A_58 = vector.extract_strided_slice %convert_element_type3A_48 {offsets = [0, 0], sizes = [100, 80], strides = [1, 1]} : vector<128x80xf32> to vector<100x80xf32>
    %eq3A_59 = vector.broadcast %slice3A_57 : vector<100x1xf32> to vector<100x80xf32>
    %eq3A_60 = arith.cmpf oeq, %eq3A_59, %slice3A_58 : vector<100x80xf32>
    %jit3A_61 = arith.constant 1.000000e+00 : f32
    %jit3A_62 = arith.constant 0.000000e+00 : f32
    %broadcast_in_dim3A_63 = vector.broadcast %jit3A_61 : f32 to vector<100x80xf32>
    %broadcast_in_dim3A_64 = vector.broadcast %jit3A_62 : f32 to vector<100x80xf32>
    %select_n3A_65 = arith.select %eq3A_60, %broadcast_in_dim3A_63, %broadcast_in_dim3A_64 : vector<100x80xi1>, vector<100x80xf32>
    %iota3A_66 = tpu.iota {dimensions = array<i32: 0>} : vector<80x80xi32>
    %iota3A_67 = tpu.iota {dimensions = array<i32: 1>} : vector<80x80xi32>
    %eq3A_68 = arith.cmpi eq, %iota3A_66, %iota3A_67 : vector<80x80xi32>
    %jit3A_69 = arith.constant 1.000000e+00 : f32
    %jit3A_70 = arith.constant 0.000000e+00 : f32
    %broadcast_in_dim3A_71 = vector.broadcast %jit3A_69 : f32 to vector<80x80xf32>
    %broadcast_in_dim3A_72 = vector.broadcast %jit3A_70 : f32 to vector<80x80xf32>
    %select_n3A_73 = arith.select %eq3A_68, %broadcast_in_dim3A_71, %broadcast_in_dim3A_72 : vector<80x80xi1>, vector<80x80xf32>
    %broadcast_in_dim3A_74 = arith.constant 1.000000e+00 : f32
    %broadcast_in_dim3A_75 = vector.broadcast %broadcast_in_dim3A_74 : f32 to vector<1x80xf32>
    %get3A = arith.constant 0 : index
    %get3A_76 = arith.constant 0 : index
    %get3A_77 = vector.load %arg1[%get3A, %get3A_76] : memref<5000x100xf32, #tpu.memory_space<vmem>>, vector<5000x100xf32>
    %convert_element_type3A_78 = arith.truncf %get3A_77 : vector<5000x100xf32> to vector<5000x100xbf16>
    %convert_element_type3A_79 = arith.extf %convert_element_type3A_78 : vector<5000x100xbf16> to vector<5000x100xf32>
    %sub3A = arith.subf %get3A_77, %convert_element_type3A_79 : vector<5000x100xf32>
    %dot_general3A_80 = arith.constant dense<0.000000e+00> : vector<5000x80xf32>
    %dot_general3A_81 = tpu.matmul %convert_element_type3A_79, %select_n3A_65, %dot_general3A_80 {dimension_numbers = #tpu.dot_dimension_numbers<[1], [0], [0], [1], [0, 0, 1, 1], [], []>, transpose_lhs_hint = false} : vector<5000x100xf32>, vector<100x80xf32>, vector<5000x80xf32> -> vector<5000x80xf32>
    %dot_general3A_82 = arith.constant dense<0.000000e+00> : vector<5000x80xf32>
    %dot_general3A_83 = tpu.matmul %sub3A, %select_n3A_65, %dot_general3A_82 {dimension_numbers = #tpu.dot_dimension_numbers<[1], [0], [0], [1], [0, 0, 1, 1], [], []>, transpose_lhs_hint = false} : vector<5000x100xf32>, vector<100x80xf32>, vector<5000x80xf32> -> vector<5000x80xf32>
    %add3A = arith.addf %dot_general3A_81, %dot_general3A_83 : vector<5000x80xf32>
    %swap3A = arith.constant 0 : index
    %swap3A_84 = arith.constant 0 : index
    %swap3A_85 = vector.load %arg6[%swap3A, %swap3A_84] : memref<5000x80xf32, #tpu.memory_space<vmem>>, vector<5000x80xf32>
    tpu.vector_store %arg6[%swap3A, %swap3A_84], %add3A {strides = array<i32>} : memref<5000x80xf32, #tpu.memory_space<vmem>>, vector<5000x80xf32>,
    %get3A_86 = arith.constant 0 : index
    %get3A_87 = arith.constant 0 : index
    %get3A_88 = vector.load %arg2[%get3A_86, %get3A_87] : memref<5000x128xf32, #tpu.memory_space<vmem>>, vector<5000x128xf32>
    %get3A_89 = arith.constant 0 : index
    %get3A_90 = arith.constant 0 : index
    %get3A_91 = vector.load %arg3[%get3A_89, %get3A_90] : memref<128x2xf32, #tpu.memory_space<vmem>>, vector<128x2xf32>
    %convert_element_type3A_92 = arith.truncf %get3A_88 : vector<5000x128xf32> to vector<5000x128xbf16>
    %convert_element_type3A_93 = arith.extf %convert_element_type3A_92 : vector<5000x128xbf16> to vector<5000x128xf32>
    %sub3A_94 = arith.subf %get3A_88, %convert_element_type3A_93 : vector<5000x128xf32>
    %convert_element_type3A_95 = arith.truncf %get3A_91 : vector<128x2xf32> to vector<128x2xbf16>
    %convert_element_type3A_96 = arith.extf %convert_element_type3A_95 : vector<128x2xbf16> to vector<128x2xf32>
    %sub3A_97 = arith.subf %get3A_91, %convert_element_type3A_96 : vector<128x2xf32>
    %dot_general3A_98 = arith.constant dense<0.000000e+00> : vector<5000x2xf32>
    %dot_general3A_99 = tpu.matmul %convert_element_type3A_93, %convert_element_type3A_96, %dot_general3A_98 {dimension_numbers = #tpu.dot_dimension_numbers<[1], [0], [0], [1], [0, 0, 1, 1], [], []>, transpose_lhs_hint = false} : vector<5000x128xf32>, vector<128x2xf32>, vector<5000x2xf32> -> vector<5000x2xf32>
    %dot_general3A_100 = arith.constant dense<0.000000e+00> : vector<5000x2xf32>
    %dot_general3A_101 = tpu.matmul %convert_element_type3A_93, %sub3A_97, %dot_general3A_100 {dimension_numbers = #tpu.dot_dimension_numbers<[1], [0], [0], [1], [0, 0, 1, 1], [], []>, transpose_lhs_hint = false} : vector<5000x128xf32>, vector<128x2xf32>, vector<5000x2xf32> -> vector<5000x2xf32>
    %dot_general3A_102 = arith.constant dense<0.000000e+00> : vector<5000x2xf32>
    %dot_general3A_103 = tpu.matmul %sub3A_94, %convert_element_type3A_96, %dot_general3A_102 {dimension_numbers = #tpu.dot_dimension_numbers<[1], [0], [0], [1], [0, 0, 1, 1], [], []>, transpose_lhs_hint = false} : vector<5000x128xf32>, vector<128x2xf32>, vector<5000x2xf32> -> vector<5000x2xf32>
    %add3A_104 = arith.addf %dot_general3A_101, %dot_general3A_103 : vector<5000x2xf32>
    %add3A_105 = arith.addf %dot_general3A_99, %add3A_104 : vector<5000x2xf32>
    %swap3A_106 = arith.constant 0 : index
    %swap3A_107 = arith.constant 0 : index
    %swap3A_108 = vector.load %arg7[%swap3A_106, %swap3A_107] : memref<5000x2xf32, #tpu.memory_space<vmem>>, vector<5000x2xf32>
    tpu.vector_store %arg7[%swap3A_106, %swap3A_107], %add3A_105 {strides = array<i32>} : memref<5000x2xf32, #tpu.memory_space<vmem>>, vector<5000x2xf32>,
    %broadcast_in_dim3A_109 = arith.constant 0.000000e+00 : f32
    %broadcast_in_dim3A_110 = vector.broadcast %broadcast_in_dim3A_109 : f32 to vector<80x100xf32>
    %concatenate3A = tpu.concatenate %select_n3A_56, %broadcast_in_dim3A_110 in 1 : vector<80x100xf32>, vector<80x100xf32> -> vector<80x200xf32>
    %broadcast_in_dim3A_111 = arith.constant 0.000000e+00 : f32
    %broadcast_in_dim3A_112 = vector.broadcast %broadcast_in_dim3A_111 : f32 to vector<80x100xf32>
    %concatenate3A_113 = tpu.concatenate %broadcast_in_dim3A_112, %select_n3A_56 in 1 : vector<80x100xf32>, vector<80x100xf32> -> vector<80x200xf32>
    %concatenate3A_114 = tpu.concatenate %concatenate3A, %concatenate3A_113 in 0 : vector<80x200xf32>, vector<80x200xf32> -> vector<160x200xf32>
    %scan3A_115 = arith.constant 0 : i32
    %scan3A_116 = arith.constant 25 : i32
    %scan3A_117 = arith.addi %scan3A_115, %scan3A_116 : i32
    %scan3A_118 = arith.constant 5 : i32
    scf.for %scan3A_120 = %scan3A_115 to %scan3A_117 step %scan3A_118  : i32 {
      %mul3A_121 = arith.constant 2 : i32
      %mul3A_122 = arith.muli %mul3A_121, %scan3A_120 : i32
      %mul3A_123 = arith.constant 100 : i32
      %mul3A_124 = arith.muli %mul3A_122, %mul3A_123 : i32
      %get3A_125 = arith.index_cast %mul3A_124 : i32 to index
      %get3A_126 = arith.constant 0 : index
      %get3A_127 = vector.load %arg2[%get3A_125, %get3A_126] : memref<5000x128xf32, #tpu.memory_space<vmem>>, vector<200x128xf32>
      %mul3A_128 = arith.constant 100 : i32
      %mul3A_129 = arith.muli %mul3A_122, %mul3A_128 : i32
      %get3A_130 = arith.index_cast %mul3A_129 : i32 to index
      %get3A_131 = arith.constant 0 : index
      %get3A_132 = vector.load %arg6[%get3A_130, %get3A_131] : memref<5000x80xf32, #tpu.memory_space<vmem>>, vector<200x80xf32>
      %mul3A_133 = arith.constant 100 : i32
      %mul3A_134 = arith.muli %mul3A_122, %mul3A_133 : i32
      %get3A_135 = arith.index_cast %mul3A_134 : i32 to index
      %get3A_136 = arith.constant 0 : index
      %get3A_137 = vector.load %arg7[%get3A_135, %get3A_136] : memref<5000x2xf32, #tpu.memory_space<vmem>>, vector<200x2xf32>
      %concatenate3A_138 = tpu.concatenate %get3A_127, %get3A_132, %get3A_137 in 1 : vector<200x128xf32>, vector<200x80xf32>, vector<200x2xf32> -> vector<200x210xf32>
      %convert_element_type3A_139 = arith.truncf %concatenate3A_138 : vector<200x210xf32> to vector<200x210xbf16>
      %convert_element_type3A_140 = arith.extf %convert_element_type3A_139 : vector<200x210xbf16> to vector<200x210xf32>
      %sub3A_141 = arith.subf %concatenate3A_138, %convert_element_type3A_140 : vector<200x210xf32>
      %dot_general3A_142 = arith.constant dense<0.000000e+00> : vector<160x210xf32>
      %dot_general3A_143 = tpu.matmul %concatenate3A_114, %convert_element_type3A_140, %dot_general3A_142 {dimension_numbers = #tpu.dot_dimension_numbers<[1], [0], [0], [1], [0, 0, 1, 1], [], []>, transpose_lhs_hint = false} : vector<160x200xf32>, vector<200x210xf32>, vector<160x210xf32> -> vector<160x210xf32>
      %dot_general3A_144 = arith.constant dense<0.000000e+00> : vector<160x210xf32>
      %dot_general3A_145 = tpu.matmul %concatenate3A_114, %sub3A_141, %dot_general3A_144 {dimension_numbers = #tpu.dot_dimension_numbers<[1], [0], [0], [1], [0, 0, 1, 1], [], []>, transpose_lhs_hint = false} : vector<160x200xf32>, vector<200x210xf32>, vector<160x210xf32> -> vector<160x210xf32>
      %add3A_146 = arith.addf %dot_general3A_143, %dot_general3A_145 : vector<160x210xf32>
      %slice3A_147 = vector.extract_strided_slice %add3A_146 {offsets = [0, 0], sizes = [160, 128], strides = [1, 1]} : vector<160x210xf32> to vector<160x128xf32>
      %slice3A_148 = vector.extract_strided_slice %add3A_146 {offsets = [0, 128], sizes = [160, 80], strides = [1, 1]} : vector<160x210xf32> to vector<160x80xf32>
      %slice3A_149 = vector.extract_strided_slice %add3A_146 {offsets = [0, 208], sizes = [160, 1], strides = [1, 1]} : vector<160x210xf32> to vector<160x1xf32>
      %slice3A_150 = vector.extract_strided_slice %add3A_146 {offsets = [0, 209], sizes = [160, 1], strides = [1, 1]} : vector<160x210xf32> to vector<160x1xf32>
      %slice3A_151 = vector.extract_strided_slice %slice3A_150 {offsets = [0, 0], sizes = [80, 1], strides = [1, 1]} : vector<160x1xf32> to vector<80x1xf32>
      %mul3A_152 = vector.broadcast %slice3A_151 : vector<80x1xf32> to vector<80x80xf32>
      %mul3A_153 = arith.mulf %select_n3A_73, %mul3A_152 : vector<80x80xf32>
      %slice3A_154 = vector.extract_strided_slice %slice3A_150 {offsets = [80, 0], sizes = [80, 1], strides = [1, 1]} : vector<160x1xf32> to vector<80x1xf32>
      %mul3A_155 = vector.broadcast %slice3A_154 : vector<80x1xf32> to vector<80x80xf32>
      %mul3A_156 = arith.mulf %select_n3A_73, %mul3A_155 : vector<80x80xf32>
      %concatenate3A_157 = tpu.concatenate %mul3A_153, %mul3A_156 in 1 : vector<80x80xf32>, vector<80x80xf32> -> vector<80x160xf32>
      %convert_element_type3A_158 = arith.truncf %concatenate3A_157 : vector<80x160xf32> to vector<80x160xbf16>
      %convert_element_type3A_159 = arith.extf %convert_element_type3A_158 : vector<80x160xbf16> to vector<80x160xf32>
      %sub3A_160 = arith.subf %concatenate3A_157, %convert_element_type3A_159 : vector<80x160xf32>
      %dot_general3A_161 = arith.constant dense<0.000000e+00> : vector<1x160xf32>
      %dot_general3A_162 = tpu.matmul %broadcast_in_dim3A_75, %convert_element_type3A_159, %dot_general3A_161 {dimension_numbers = #tpu.dot_dimension_numbers<[1], [0], [0], [1], [0, 0, 1, 1], [], []>, transpose_lhs_hint = false} : vector<1x80xf32>, vector<80x160xf32>, vector<1x160xf32> -> vector<1x160xf32>
      %dot_general3A_163 = arith.constant dense<0.000000e+00> : vector<1x160xf32>
      %dot_general3A_164 = tpu.matmul %broadcast_in_dim3A_75, %sub3A_160, %dot_general3A_163 {dimension_numbers = #tpu.dot_dimension_numbers<[1], [0], [0], [1], [0, 0, 1, 1], [], []>, transpose_lhs_hint = false} : vector<1x80xf32>, vector<80x160xf32>, vector<1x160xf32> -> vector<1x160xf32>
      %add3A_165 = arith.addf %dot_general3A_162, %dot_general3A_164 : vector<1x160xf32>
      %slice3A_166 = vector.extract_strided_slice %add3A_165 {offsets = [0, 0], sizes = [1, 80], strides = [1, 1]} : vector<1x160xf32> to vector<1x80xf32>
      %broadcast_in_dim3A_167 = vector.shape_cast %slice3A_166 : vector<1x80xf32> to vector<1x80xf32>
      %broadcast_in_dim3A_168 = vector.broadcast %broadcast_in_dim3A_167 : vector<1x80xf32> to vector<80x80xf32>
      %slice3A_169 = vector.extract_strided_slice %add3A_165 {offsets = [0, 80], sizes = [1, 80], strides = [1, 1]} : vector<1x160xf32> to vector<1x80xf32>
      %broadcast_in_dim3A_170 = vector.shape_cast %slice3A_169 : vector<1x80xf32> to vector<1x80xf32>
      %broadcast_in_dim3A_171 = vector.broadcast %broadcast_in_dim3A_170 : vector<1x80xf32> to vector<80x80xf32>
      %concatenate3A_172 = tpu.concatenate %broadcast_in_dim3A_168, %broadcast_in_dim3A_171 in 0 : vector<80x80xf32>, vector<80x80xf32> -> vector<160x80xf32>
      %add3A_173 = vector.broadcast %slice3A_149 : vector<160x1xf32> to vector<160x80xf32>
      %add3A_174 = arith.addf %add3A_173, %concatenate3A_172 : vector<160x80xf32>
      %gt3A_175 = arith.constant 0.000000e+00 : f32
      %gt3A_176 = vector.broadcast %gt3A_175 : f32 to vector<160x80xf32>
      %gt3A_177 = arith.cmpf ogt, %add3A_174, %gt3A_176 : vector<160x80xf32>
      %mul3A_178 = arith.constant 2.000000e-01 : f32
      %mul3A_179 = vector.broadcast %mul3A_178 : f32 to vector<160x80xf32>
      %mul3A_180 = arith.mulf %mul3A_179, %add3A_174 : vector<160x80xf32>
      %select_n3A_181 = arith.select %gt3A_177, %add3A_174, %mul3A_180 : vector<160x80xi1>, vector<160x80xf32>
      %mul3A_182 = arith.constant 1.000000e+00 : f32
      %mul3A_183 = vector.broadcast %mul3A_182 : f32 to vector<160x80xf32>
      %mul3A_184 = arith.mulf %mul3A_183, %slice3A_148 : vector<160x80xf32>
      %add3A_185 = arith.addf %select_n3A_181, %mul3A_184 : vector<160x80xf32>
      %reduce_max3A = arith.constant dense<0xFF800000> : vector<160xf32>
      %reduce_max3A_186 = vector.multi_reduction <maximumf>, %add3A_185, %reduce_max3A [1] : vector<160x80xf32> to vector<160xf32>
      %broadcast_in_dim3A_187 = vector.shape_cast %reduce_max3A_186 : vector<160xf32> to vector<160x1xf32>
      %sub3A_188 = vector.broadcast %broadcast_in_dim3A_187 : vector<160x1xf32> to vector<160x80xf32>
      %sub3A_189 = arith.subf %add3A_185, %sub3A_188 : vector<160x80xf32>
      %exp3A = math.exp %sub3A_189 : vector<160x80xf32>
      %reduce_sum3A_190 = arith.constant dense<0.000000e+00> : vector<160xf32>
      %reduce_sum3A_191 = vector.multi_reduction <add>, %exp3A, %reduce_sum3A_190 [1] : vector<160x80xf32> to vector<160xf32>
      %broadcast_in_dim3A_192 = vector.shape_cast %reduce_sum3A_191 : vector<160xf32> to vector<160x1xf32>
      %reshape3A = vector.shape_cast %slice3A_147 : vector<160x128xf32> to vector<2x80x128xf32>
      %swap3A_193 = arith.index_cast %mul3A_122 : i32 to index
      %swap3A_194 = arith.constant 0 : index
      %swap3A_195 = arith.constant 0 : index
      %swap3A_196 = vector.load %arg4[%swap3A_193, %swap3A_194, %swap3A_195] : memref<50x80x128xf32, #tpu.memory_space<vmem>>, vector<2x80x128xf32>
      tpu.vector_store %arg4[%swap3A_193, %swap3A_194, %swap3A_195], %reshape3A {strides = array<i32>} : memref<50x80x128xf32, #tpu.memory_space<vmem>>, vector<2x80x128xf32>,
      %add3A_197 = arith.constant 1.000000e-16 : f32
      %add3A_198 = vector.broadcast %add3A_197 : f32 to vector<160x1xf32>
      %add3A_199 = arith.addf %broadcast_in_dim3A_192, %add3A_198 : vector<160x1xf32>
      %div3A = vector.broadcast %add3A_199 : vector<160x1xf32> to vector<160x80xf32>
      %div3A_200 = arith.divf %exp3A, %div3A : vector<160x80xf32>
      %reshape3A_201 = vector.shape_cast %div3A_200 : vector<160x80xf32> to vector<2x80x80xf32>
      %swap3A_202 = arith.index_cast %mul3A_122 : i32 to index
      %swap3A_203 = arith.constant 0 : index
      %swap3A_204 = arith.constant 0 : index
      %swap3A_205 = vector.load %arg5[%swap3A_202, %swap3A_203, %swap3A_204] : memref<50x80x80xf32, #tpu.memory_space<vmem>>, vector<2x80x80xf32>
      tpu.vector_store %arg5[%swap3A_202, %swap3A_203, %swap3A_204], %reshape3A_201 {strides = array<i32>} : memref<50x80x80xf32, #tpu.memory_space<vmem>>, vector<2x80x80xf32>,
      %scan3A_206 = arith.constant 1 : i32
      %scan3A_207 = arith.addi %scan3A_120, %scan3A_206 : i32
      %mul3A_208 = arith.constant 2 : i32
      %mul3A_209 = arith.muli %mul3A_208, %scan3A_207 : i32
      %mul3A_210 = arith.constant 100 : i32
      %mul3A_211 = arith.muli %mul3A_209, %mul3A_210 : i32
      %get3A_212 = arith.index_cast %mul3A_211 : i32 to index
      %get3A_213 = arith.constant 0 : index
      %get3A_214 = vector.load %arg2[%get3A_212, %get3A_213] : memref<5000x128xf32, #tpu.memory_space<vmem>>, vector<200x128xf32>
      %mul3A_215 = arith.constant 100 : i32
      %mul3A_216 = arith.muli %mul3A_209, %mul3A_215 : i32
      %get3A_217 = arith.index_cast %mul3A_216 : i32 to index
      %get3A_218 = arith.constant 0 : index
      %get3A_219 = vector.load %arg6[%get3A_217, %get3A_218] : memref<5000x80xf32, #tpu.memory_space<vmem>>, vector<200x80xf32>
      %mul3A_220 = arith.constant 100 : i32
      %mul3A_221 = arith.muli %mul3A_209, %mul3A_220 : i32
      %get3A_222 = arith.index_cast %mul3A_221 : i32 to index
      %get3A_223 = arith.constant 0 : index
      %get3A_224 = vector.load %arg7[%get3A_222, %get3A_223] : memref<5000x2xf32, #tpu.memory_space<vmem>>, vector<200x2xf32>
      %concatenate3A_225 = tpu.concatenate %get3A_214, %get3A_219, %get3A_224 in 1 : vector<200x128xf32>, vector<200x80xf32>, vector<200x2xf32> -> vector<200x210xf32>
      %convert_element_type3A_226 = arith.truncf %concatenate3A_225 : vector<200x210xf32> to vector<200x210xbf16>
      %convert_element_type3A_227 = arith.extf %convert_element_type3A_226 : vector<200x210xbf16> to vector<200x210xf32>
      %sub3A_228 = arith.subf %concatenate3A_225, %convert_element_type3A_227 : vector<200x210xf32>
      %dot_general3A_229 = arith.constant dense<0.000000e+00> : vector<160x210xf32>
      %dot_general3A_230 = tpu.matmul %concatenate3A_114, %convert_element_type3A_227, %dot_general3A_229 {dimension_numbers = #tpu.dot_dimension_numbers<[1], [0], [0], [1], [0, 0, 1, 1], [], []>, transpose_lhs_hint = false} : vector<160x200xf32>, vector<200x210xf32>, vector<160x210xf32> -> vector<160x210xf32>
      %dot_general3A_231 = arith.constant dense<0.000000e+00> : vector<160x210xf32>
      %dot_general3A_232 = tpu.matmul %concatenate3A_114, %sub3A_228, %dot_general3A_231 {dimension_numbers = #tpu.dot_dimension_numbers<[1], [0], [0], [1], [0, 0, 1, 1], [], []>, transpose_lhs_hint = false} : vector<160x200xf32>, vector<200x210xf32>, vector<160x210xf32> -> vector<160x210xf32>
      %add3A_233 = arith.addf %dot_general3A_230, %dot_general3A_232 : vector<160x210xf32>
      %slice3A_234 = vector.extract_strided_slice %add3A_233 {offsets = [0, 0], sizes = [160, 128], strides = [1, 1]} : vector<160x210xf32> to vector<160x128xf32>
      %slice3A_235 = vector.extract_strided_slice %add3A_233 {offsets = [0, 128], sizes = [160, 80], strides = [1, 1]} : vector<160x210xf32> to vector<160x80xf32>
      %slice3A_236 = vector.extract_strided_slice %add3A_233 {offsets = [0, 208], sizes = [160, 1], strides = [1, 1]} : vector<160x210xf32> to vector<160x1xf32>
      %slice3A_237 = vector.extract_strided_slice %add3A_233 {offsets = [0, 209], sizes = [160, 1], strides = [1, 1]} : vector<160x210xf32> to vector<160x1xf32>
      %slice3A_238 = vector.extract_strided_slice %slice3A_237 {offsets = [0, 0], sizes = [80, 1], strides = [1, 1]} : vector<160x1xf32> to vector<80x1xf32>
      %mul3A_239 = vector.broadcast %slice3A_238 : vector<80x1xf32> to vector<80x80xf32>
      %mul3A_240 = arith.mulf %select_n3A_73, %mul3A_239 : vector<80x80xf32>
      %slice3A_241 = vector.extract_strided_slice %slice3A_237 {offsets = [80, 0], sizes = [80, 1], strides = [1, 1]} : vector<160x1xf32> to vector<80x1xf32>
      %mul3A_242 = vector.broadcast %slice3A_241 : vector<80x1xf32> to vector<80x80xf32>
      %mul3A_243 = arith.mulf %select_n3A_73, %mul3A_242 : vector<80x80xf32>
      %concatenate3A_244 = tpu.concatenate %mul3A_240, %mul3A_243 in 1 : vector<80x80xf32>, vector<80x80xf32> -> vector<80x160xf32>
      %convert_element_type3A_245 = arith.truncf %concatenate3A_244 : vector<80x160xf32> to vector<80x160xbf16>
      %convert_element_type3A_246 = arith.extf %convert_element_type3A_245 : vector<80x160xbf16> to vector<80x160xf32>
      %sub3A_247 = arith.subf %concatenate3A_244, %convert_element_type3A_246 : vector<80x160xf32>
      %dot_general3A_248 = arith.constant dense<0.000000e+00> : vector<1x160xf32>
      %dot_general3A_249 = tpu.matmul %broadcast_in_dim3A_75, %convert_element_type3A_246, %dot_general3A_248 {dimension_numbers = #tpu.dot_dimension_numbers<[1], [0], [0], [1], [0, 0, 1, 1], [], []>, transpose_lhs_hint = false} : vector<1x80xf32>, vector<80x160xf32>, vector<1x160xf32> -> vector<1x160xf32>
      %dot_general3A_250 = arith.constant dense<0.000000e+00> : vector<1x160xf32>
      %dot_general3A_251 = tpu.matmul %broadcast_in_dim3A_75, %sub3A_247, %dot_general3A_250 {dimension_numbers = #tpu.dot_dimension_numbers<[1], [0], [0], [1], [0, 0, 1, 1], [], []>, transpose_lhs_hint = false} : vector<1x80xf32>, vector<80x160xf32>, vector<1x160xf32> -> vector<1x160xf32>
      %add3A_252 = arith.addf %dot_general3A_249, %dot_general3A_251 : vector<1x160xf32>
      %slice3A_253 = vector.extract_strided_slice %add3A_252 {offsets = [0, 0], sizes = [1, 80], strides = [1, 1]} : vector<1x160xf32> to vector<1x80xf32>
      %broadcast_in_dim3A_254 = vector.shape_cast %slice3A_253 : vector<1x80xf32> to vector<1x80xf32>
      %broadcast_in_dim3A_255 = vector.broadcast %broadcast_in_dim3A_254 : vector<1x80xf32> to vector<80x80xf32>
      %slice3A_256 = vector.extract_strided_slice %add3A_252 {offsets = [0, 80], sizes = [1, 80], strides = [1, 1]} : vector<1x160xf32> to vector<1x80xf32>
      %broadcast_in_dim3A_257 = vector.shape_cast %slice3A_256 : vector<1x80xf32> to vector<1x80xf32>
      %broadcast_in_dim3A_258 = vector.broadcast %broadcast_in_dim3A_257 : vector<1x80xf32> to vector<80x80xf32>
      %concatenate3A_259 = tpu.concatenate %broadcast_in_dim3A_255, %broadcast_in_dim3A_258 in 0 : vector<80x80xf32>, vector<80x80xf32> -> vector<160x80xf32>
      %add3A_260 = vector.broadcast %slice3A_236 : vector<160x1xf32> to vector<160x80xf32>
      %add3A_261 = arith.addf %add3A_260, %concatenate3A_259 : vector<160x80xf32>
      %gt3A_262 = arith.constant 0.000000e+00 : f32
      %gt3A_263 = vector.broadcast %gt3A_262 : f32 to vector<160x80xf32>
      %gt3A_264 = arith.cmpf ogt, %add3A_261, %gt3A_263 : vector<160x80xf32>
      %mul3A_265 = arith.constant 2.000000e-01 : f32
      %mul3A_266 = vector.broadcast %mul3A_265 : f32 to vector<160x80xf32>
      %mul3A_267 = arith.mulf %mul3A_266, %add3A_261 : vector<160x80xf32>
      %select_n3A_268 = arith.select %gt3A_264, %add3A_261, %mul3A_267 : vector<160x80xi1>, vector<160x80xf32>
      %mul3A_269 = arith.constant 1.000000e+00 : f32
      %mul3A_270 = vector.broadcast %mul3A_269 : f32 to vector<160x80xf32>
      %mul3A_271 = arith.mulf %mul3A_270, %slice3A_235 : vector<160x80xf32>
      %add3A_272 = arith.addf %select_n3A_268, %mul3A_271 : vector<160x80xf32>
      %reduce_max3A_273 = arith.constant dense<0xFF800000> : vector<160xf32>
      %reduce_max3A_274 = vector.multi_reduction <maximumf>, %add3A_272, %reduce_max3A_273 [1] : vector<160x80xf32> to vector<160xf32>
      %broadcast_in_dim3A_275 = vector.shape_cast %reduce_max3A_274 : vector<160xf32> to vector<160x1xf32>
      %sub3A_276 = vector.broadcast %broadcast_in_dim3A_275 : vector<160x1xf32> to vector<160x80xf32>
      %sub3A_277 = arith.subf %add3A_272, %sub3A_276 : vector<160x80xf32>
      %exp3A_278 = math.exp %sub3A_277 : vector<160x80xf32>
      %reduce_sum3A_279 = arith.constant dense<0.000000e+00> : vector<160xf32>
      %reduce_sum3A_280 = vector.multi_reduction <add>, %exp3A_278, %reduce_sum3A_279 [1] : vector<160x80xf32> to vector<160xf32>
      %broadcast_in_dim3A_281 = vector.shape_cast %reduce_sum3A_280 : vector<160xf32> to vector<160x1xf32>
      %reshape3A_282 = vector.shape_cast %slice3A_234 : vector<160x128xf32> to vector<2x80x128xf32>
      %swap3A_283 = arith.index_cast %mul3A_209 : i32 to index
      %swap3A_284 = arith.constant 0 : index
      %swap3A_285 = arith.constant 0 : index
      %swap3A_286 = vector.load %arg4[%swap3A_283, %swap3A_284, %swap3A_285] : memref<50x80x128xf32, #tpu.memory_space<vmem>>, vector<2x80x128xf32>
      tpu.vector_store %arg4[%swap3A_283, %swap3A_284, %swap3A_285], %reshape3A_282 {strides = array<i32>} : memref<50x80x128xf32, #tpu.memory_space<vmem>>, vector<2x80x128xf32>,
      %add3A_287 = arith.constant 1.000000e-16 : f32
      %add3A_288 = vector.broadcast %add3A_287 : f32 to vector<160x1xf32>
      %add3A_289 = arith.addf %broadcast_in_dim3A_281, %add3A_288 : vector<160x1xf32>
      %div3A_290 = vector.broadcast %add3A_289 : vector<160x1xf32> to vector<160x80xf32>
      %div3A_291 = arith.divf %exp3A_278, %div3A_290 : vector<160x80xf32>
      %reshape3A_292 = vector.shape_cast %div3A_291 : vector<160x80xf32> to vector<2x80x80xf32>
      %swap3A_293 = arith.index_cast %mul3A_209 : i32 to index
      %swap3A_294 = arith.constant 0 : index
      %swap3A_295 = arith.constant 0 : index
      %swap3A_296 = vector.load %arg5[%swap3A_293, %swap3A_294, %swap3A_295] : memref<50x80x80xf32, #tpu.memory_space<vmem>>, vector<2x80x80xf32>
      tpu.vector_store %arg5[%swap3A_293, %swap3A_294, %swap3A_295], %reshape3A_292 {strides = array<i32>} : memref<50x80x80xf32, #tpu.memory_space<vmem>>, vector<2x80x80xf32>,
      %scan3A_297 = arith.constant 2 : i32
      %scan3A_298 = arith.addi %scan3A_120, %scan3A_297 : i32
      %mul3A_299 = arith.constant 2 : i32
      %mul3A_300 = arith.muli %mul3A_299, %scan3A_298 : i32
      %mul3A_301 = arith.constant 100 : i32
      %mul3A_302 = arith.muli %mul3A_300, %mul3A_301 : i32
      %get3A_303 = arith.index_cast %mul3A_302 : i32 to index
      %get3A_304 = arith.constant 0 : index
      %get3A_305 = vector.load %arg2[%get3A_303, %get3A_304] : memref<5000x128xf32, #tpu.memory_space<vmem>>, vector<200x128xf32>
      %mul3A_306 = arith.constant 100 : i32
      %mul3A_307 = arith.muli %mul3A_300, %mul3A_306 : i32
      %get3A_308 = arith.index_cast %mul3A_307 : i32 to index
      %get3A_309 = arith.constant 0 : index
      %get3A_310 = vector.load %arg6[%get3A_308, %get3A_309] : memref<5000x80xf32, #tpu.memory_space<vmem>>, vector<200x80xf32>
      %mul3A_311 = arith.constant 100 : i32
      %mul3A_312 = arith.muli %mul3A_300, %mul3A_311 : i32
      %get3A_313 = arith.index_cast %mul3A_312 : i32 to index
      %get3A_314 = arith.constant 0 : index
      %get3A_315 = vector.load %arg7[%get3A_313, %get3A_314] : memref<5000x2xf32, #tpu.memory_space<vmem>>, vector<200x2xf32>
      %concatenate3A_316 = tpu.concatenate %get3A_305, %get3A_310, %get3A_315 in 1 : vector<200x128xf32>, vector<200x80xf32>, vector<200x2xf32> -> vector<200x210xf32>
      %convert_element_type3A_317 = arith.truncf %concatenate3A_316 : vector<200x210xf32> to vector<200x210xbf16>
      %convert_element_type3A_318 = arith.extf %convert_element_type3A_317 : vector<200x210xbf16> to vector<200x210xf32>
      %sub3A_319 = arith.subf %concatenate3A_316, %convert_element_type3A_318 : vector<200x210xf32>
      %dot_general3A_320 = arith.constant dense<0.000000e+00> : vector<160x210xf32>
      %dot_general3A_321 = tpu.matmul %concatenate3A_114, %convert_element_type3A_318, %dot_general3A_320 {dimension_numbers = #tpu.dot_dimension_numbers<[1], [0], [0], [1], [0, 0, 1, 1], [], []>, transpose_lhs_hint = false} : vector<160x200xf32>, vector<200x210xf32>, vector<160x210xf32> -> vector<160x210xf32>
      %dot_general3A_322 = arith.constant dense<0.000000e+00> : vector<160x210xf32>
      %dot_general3A_323 = tpu.matmul %concatenate3A_114, %sub3A_319, %dot_general3A_322 {dimension_numbers = #tpu.dot_dimension_numbers<[1], [0], [0], [1], [0, 0, 1, 1], [], []>, transpose_lhs_hint = false} : vector<160x200xf32>, vector<200x210xf32>, vector<160x210xf32> -> vector<160x210xf32>
      %add3A_324 = arith.addf %dot_general3A_321, %dot_general3A_323 : vector<160x210xf32>
      %slice3A_325 = vector.extract_strided_slice %add3A_324 {offsets = [0, 0], sizes = [160, 128], strides = [1, 1]} : vector<160x210xf32> to vector<160x128xf32>
      %slice3A_326 = vector.extract_strided_slice %add3A_324 {offsets = [0, 128], sizes = [160, 80], strides = [1, 1]} : vector<160x210xf32> to vector<160x80xf32>
      %slice3A_327 = vector.extract_strided_slice %add3A_324 {offsets = [0, 208], sizes = [160, 1], strides = [1, 1]} : vector<160x210xf32> to vector<160x1xf32>
      %slice3A_328 = vector.extract_strided_slice %add3A_324 {offsets = [0, 209], sizes = [160, 1], strides = [1, 1]} : vector<160x210xf32> to vector<160x1xf32>
      %slice3A_329 = vector.extract_strided_slice %slice3A_328 {offsets = [0, 0], sizes = [80, 1], strides = [1, 1]} : vector<160x1xf32> to vector<80x1xf32>
      %mul3A_330 = vector.broadcast %slice3A_329 : vector<80x1xf32> to vector<80x80xf32>
      %mul3A_331 = arith.mulf %select_n3A_73, %mul3A_330 : vector<80x80xf32>
      %slice3A_332 = vector.extract_strided_slice %slice3A_328 {offsets = [80, 0], sizes = [80, 1], strides = [1, 1]} : vector<160x1xf32> to vector<80x1xf32>
      %mul3A_333 = vector.broadcast %slice3A_332 : vector<80x1xf32> to vector<80x80xf32>
      %mul3A_334 = arith.mulf %select_n3A_73, %mul3A_333 : vector<80x80xf32>
      %concatenate3A_335 = tpu.concatenate %mul3A_331, %mul3A_334 in 1 : vector<80x80xf32>, vector<80x80xf32> -> vector<80x160xf32>
      %convert_element_type3A_336 = arith.truncf %concatenate3A_335 : vector<80x160xf32> to vector<80x160xbf16>
      %convert_element_type3A_337 = arith.extf %convert_element_type3A_336 : vector<80x160xbf16> to vector<80x160xf32>
      %sub3A_338 = arith.subf %concatenate3A_335, %convert_element_type3A_337 : vector<80x160xf32>
      %dot_general3A_339 = arith.constant dense<0.000000e+00> : vector<1x160xf32>
      %dot_general3A_340 = tpu.matmul %broadcast_in_dim3A_75, %convert_element_type3A_337, %dot_general3A_339 {dimension_numbers = #tpu.dot_dimension_numbers<[1], [0], [0], [1], [0, 0, 1, 1], [], []>, transpose_lhs_hint = false} : vector<1x80xf32>, vector<80x160xf32>, vector<1x160xf32> -> vector<1x160xf32>
      %dot_general3A_341 = arith.constant dense<0.000000e+00> : vector<1x160xf32>
      %dot_general3A_342 = tpu.matmul %broadcast_in_dim3A_75, %sub3A_338, %dot_general3A_341 {dimension_numbers = #tpu.dot_dimension_numbers<[1], [0], [0], [1], [0, 0, 1, 1], [], []>, transpose_lhs_hint = false} : vector<1x80xf32>, vector<80x160xf32>, vector<1x160xf32> -> vector<1x160xf32>
      %add3A_343 = arith.addf %dot_general3A_340, %dot_general3A_342 : vector<1x160xf32>
      %slice3A_344 = vector.extract_strided_slice %add3A_343 {offsets = [0, 0], sizes = [1, 80], strides = [1, 1]} : vector<1x160xf32> to vector<1x80xf32>
      %broadcast_in_dim3A_345 = vector.shape_cast %slice3A_344 : vector<1x80xf32> to vector<1x80xf32>
      %broadcast_in_dim3A_346 = vector.broadcast %broadcast_in_dim3A_345 : vector<1x80xf32> to vector<80x80xf32>
      %slice3A_347 = vector.extract_strided_slice %add3A_343 {offsets = [0, 80], sizes = [1, 80], strides = [1, 1]} : vector<1x160xf32> to vector<1x80xf32>
      %broadcast_in_dim3A_348 = vector.shape_cast %slice3A_347 : vector<1x80xf32> to vector<1x80xf32>
      %broadcast_in_dim3A_349 = vector.broadcast %broadcast_in_dim3A_348 : vector<1x80xf32> to vector<80x80xf32>
      %concatenate3A_350 = tpu.concatenate %broadcast_in_dim3A_346, %broadcast_in_dim3A_349 in 0 : vector<80x80xf32>, vector<80x80xf32> -> vector<160x80xf32>
      %add3A_351 = vector.broadcast %slice3A_327 : vector<160x1xf32> to vector<160x80xf32>
      %add3A_352 = arith.addf %add3A_351, %concatenate3A_350 : vector<160x80xf32>
      %gt3A_353 = arith.constant 0.000000e+00 : f32
      %gt3A_354 = vector.broadcast %gt3A_353 : f32 to vector<160x80xf32>
      %gt3A_355 = arith.cmpf ogt, %add3A_352, %gt3A_354 : vector<160x80xf32>
      %mul3A_356 = arith.constant 2.000000e-01 : f32
      %mul3A_357 = vector.broadcast %mul3A_356 : f32 to vector<160x80xf32>
      %mul3A_358 = arith.mulf %mul3A_357, %add3A_352 : vector<160x80xf32>
      %select_n3A_359 = arith.select %gt3A_355, %add3A_352, %mul3A_358 : vector<160x80xi1>, vector<160x80xf32>
      %mul3A_360 = arith.constant 1.000000e+00 : f32
      %mul3A_361 = vector.broadcast %mul3A_360 : f32 to vector<160x80xf32>
      %mul3A_362 = arith.mulf %mul3A_361, %slice3A_326 : vector<160x80xf32>
      %add3A_363 = arith.addf %select_n3A_359, %mul3A_362 : vector<160x80xf32>
      %reduce_max3A_364 = arith.constant dense<0xFF800000> : vector<160xf32>
      %reduce_max3A_365 = vector.multi_reduction <maximumf>, %add3A_363, %reduce_max3A_364 [1] : vector<160x80xf32> to vector<160xf32>
      %broadcast_in_dim3A_366 = vector.shape_cast %reduce_max3A_365 : vector<160xf32> to vector<160x1xf32>
      %sub3A_367 = vector.broadcast %broadcast_in_dim3A_366 : vector<160x1xf32> to vector<160x80xf32>
      %sub3A_368 = arith.subf %add3A_363, %sub3A_367 : vector<160x80xf32>
      %exp3A_369 = math.exp %sub3A_368 : vector<160x80xf32>
      %reduce_sum3A_370 = arith.constant dense<0.000000e+00> : vector<160xf32>
      %reduce_sum3A_371 = vector.multi_reduction <add>, %exp3A_369, %reduce_sum3A_370 [1] : vector<160x80xf32> to vector<160xf32>
      %broadcast_in_dim3A_372 = vector.shape_cast %reduce_sum3A_371 : vector<160xf32> to vector<160x1xf32>
      %reshape3A_373 = vector.shape_cast %slice3A_325 : vector<160x128xf32> to vector<2x80x128xf32>
      %swap3A_374 = arith.index_cast %mul3A_300 : i32 to index
      %swap3A_375 = arith.constant 0 : index
      %swap3A_376 = arith.constant 0 : index
      %swap3A_377 = vector.load %arg4[%swap3A_374, %swap3A_375, %swap3A_376] : memref<50x80x128xf32, #tpu.memory_space<vmem>>, vector<2x80x128xf32>
      tpu.vector_store %arg4[%swap3A_374, %swap3A_375, %swap3A_376], %reshape3A_373 {strides = array<i32>} : memref<50x80x128xf32, #tpu.memory_space<vmem>>, vector<2x80x128xf32>,
      %add3A_378 = arith.constant 1.000000e-16 : f32
      %add3A_379 = vector.broadcast %add3A_378 : f32 to vector<160x1xf32>
      %add3A_380 = arith.addf %broadcast_in_dim3A_372, %add3A_379 : vector<160x1xf32>
      %div3A_381 = vector.broadcast %add3A_380 : vector<160x1xf32> to vector<160x80xf32>
      %div3A_382 = arith.divf %exp3A_369, %div3A_381 : vector<160x80xf32>
      %reshape3A_383 = vector.shape_cast %div3A_382 : vector<160x80xf32> to vector<2x80x80xf32>
      %swap3A_384 = arith.index_cast %mul3A_300 : i32 to index
      %swap3A_385 = arith.constant 0 : index
      %swap3A_386 = arith.constant 0 : index
      %swap3A_387 = vector.load %arg5[%swap3A_384, %swap3A_385, %swap3A_386] : memref<50x80x80xf32, #tpu.memory_space<vmem>>, vector<2x80x80xf32>
      tpu.vector_store %arg5[%swap3A_384, %swap3A_385, %swap3A_386], %reshape3A_383 {strides = array<i32>} : memref<50x80x80xf32, #tpu.memory_space<vmem>>, vector<2x80x80xf32>,
      %scan3A_388 = arith.constant 3 : i32
      %scan3A_389 = arith.addi %scan3A_120, %scan3A_388 : i32
      %mul3A_390 = arith.constant 2 : i32
      %mul3A_391 = arith.muli %mul3A_390, %scan3A_389 : i32
      %mul3A_392 = arith.constant 100 : i32
      %mul3A_393 = arith.muli %mul3A_391, %mul3A_392 : i32
      %get3A_394 = arith.index_cast %mul3A_393 : i32 to index
      %get3A_395 = arith.constant 0 : index
      %get3A_396 = vector.load %arg2[%get3A_394, %get3A_395] : memref<5000x128xf32, #tpu.memory_space<vmem>>, vector<200x128xf32>
      %mul3A_397 = arith.constant 100 : i32
      %mul3A_398 = arith.muli %mul3A_391, %mul3A_397 : i32
      %get3A_399 = arith.index_cast %mul3A_398 : i32 to index
      %get3A_400 = arith.constant 0 : index
      %get3A_401 = vector.load %arg6[%get3A_399, %get3A_400] : memref<5000x80xf32, #tpu.memory_space<vmem>>, vector<200x80xf32>
      %mul3A_402 = arith.constant 100 : i32
      %mul3A_403 = arith.muli %mul3A_391, %mul3A_402 : i32
      %get3A_404 = arith.index_cast %mul3A_403 : i32 to index
      %get3A_405 = arith.constant 0 : index
      %get3A_406 = vector.load %arg7[%get3A_404, %get3A_405] : memref<5000x2xf32, #tpu.memory_space<vmem>>, vector<200x2xf32>
      %concatenate3A_407 = tpu.concatenate %get3A_396, %get3A_401, %get3A_406 in 1 : vector<200x128xf32>, vector<200x80xf32>, vector<200x2xf32> -> vector<200x210xf32>
      %convert_element_type3A_408 = arith.truncf %concatenate3A_407 : vector<200x210xf32> to vector<200x210xbf16>
      %convert_element_type3A_409 = arith.extf %convert_element_type3A_408 : vector<200x210xbf16> to vector<200x210xf32>
      %sub3A_410 = arith.subf %concatenate3A_407, %convert_element_type3A_409 : vector<200x210xf32>
      %dot_general3A_411 = arith.constant dense<0.000000e+00> : vector<160x210xf32>
      %dot_general3A_412 = tpu.matmul %concatenate3A_114, %convert_element_type3A_409, %dot_general3A_411 {dimension_numbers = #tpu.dot_dimension_numbers<[1], [0], [0], [1], [0, 0, 1, 1], [], []>, transpose_lhs_hint = false} : vector<160x200xf32>, vector<200x210xf32>, vector<160x210xf32> -> vector<160x210xf32>
      %dot_general3A_413 = arith.constant dense<0.000000e+00> : vector<160x210xf32>
      %dot_general3A_414 = tpu.matmul %concatenate3A_114, %sub3A_410, %dot_general3A_413 {dimension_numbers = #tpu.dot_dimension_numbers<[1], [0], [0], [1], [0, 0, 1, 1], [], []>, transpose_lhs_hint = false} : vector<160x200xf32>, vector<200x210xf32>, vector<160x210xf32> -> vector<160x210xf32>
      %add3A_415 = arith.addf %dot_general3A_412, %dot_general3A_414 : vector<160x210xf32>
      %slice3A_416 = vector.extract_strided_slice %add3A_415 {offsets = [0, 0], sizes = [160, 128], strides = [1, 1]} : vector<160x210xf32> to vector<160x128xf32>
      %slice3A_417 = vector.extract_strided_slice %add3A_415 {offsets = [0, 128], sizes = [160, 80], strides = [1, 1]} : vector<160x210xf32> to vector<160x80xf32>
      %slice3A_418 = vector.extract_strided_slice %add3A_415 {offsets = [0, 208], sizes = [160, 1], strides = [1, 1]} : vector<160x210xf32> to vector<160x1xf32>
      %slice3A_419 = vector.extract_strided_slice %add3A_415 {offsets = [0, 209], sizes = [160, 1], strides = [1, 1]} : vector<160x210xf32> to vector<160x1xf32>
      %slice3A_420 = vector.extract_strided_slice %slice3A_419 {offsets = [0, 0], sizes = [80, 1], strides = [1, 1]} : vector<160x1xf32> to vector<80x1xf32>
      %mul3A_421 = vector.broadcast %slice3A_420 : vector<80x1xf32> to vector<80x80xf32>
      %mul3A_422 = arith.mulf %select_n3A_73, %mul3A_421 : vector<80x80xf32>
      %slice3A_423 = vector.extract_strided_slice %slice3A_419 {offsets = [80, 0], sizes = [80, 1], strides = [1, 1]} : vector<160x1xf32> to vector<80x1xf32>
      %mul3A_424 = vector.broadcast %slice3A_423 : vector<80x1xf32> to vector<80x80xf32>
      %mul3A_425 = arith.mulf %select_n3A_73, %mul3A_424 : vector<80x80xf32>
      %concatenate3A_426 = tpu.concatenate %mul3A_422, %mul3A_425 in 1 : vector<80x80xf32>, vector<80x80xf32> -> vector<80x160xf32>
      %convert_element_type3A_427 = arith.truncf %concatenate3A_426 : vector<80x160xf32> to vector<80x160xbf16>
      %convert_element_type3A_428 = arith.extf %convert_element_type3A_427 : vector<80x160xbf16> to vector<80x160xf32>
      %sub3A_429 = arith.subf %concatenate3A_426, %convert_element_type3A_428 : vector<80x160xf32>
      %dot_general3A_430 = arith.constant dense<0.000000e+00> : vector<1x160xf32>
      %dot_general3A_431 = tpu.matmul %broadcast_in_dim3A_75, %convert_element_type3A_428, %dot_general3A_430 {dimension_numbers = #tpu.dot_dimension_numbers<[1], [0], [0], [1], [0, 0, 1, 1], [], []>, transpose_lhs_hint = false} : vector<1x80xf32>, vector<80x160xf32>, vector<1x160xf32> -> vector<1x160xf32>
      %dot_general3A_432 = arith.constant dense<0.000000e+00> : vector<1x160xf32>
      %dot_general3A_433 = tpu.matmul %broadcast_in_dim3A_75, %sub3A_429, %dot_general3A_432 {dimension_numbers = #tpu.dot_dimension_numbers<[1], [0], [0], [1], [0, 0, 1, 1], [], []>, transpose_lhs_hint = false} : vector<1x80xf32>, vector<80x160xf32>, vector<1x160xf32> -> vector<1x160xf32>
      %add3A_434 = arith.addf %dot_general3A_431, %dot_general3A_433 : vector<1x160xf32>
      %slice3A_435 = vector.extract_strided_slice %add3A_434 {offsets = [0, 0], sizes = [1, 80], strides = [1, 1]} : vector<1x160xf32> to vector<1x80xf32>
      %broadcast_in_dim3A_436 = vector.shape_cast %slice3A_435 : vector<1x80xf32> to vector<1x80xf32>
      %broadcast_in_dim3A_437 = vector.broadcast %broadcast_in_dim3A_436 : vector<1x80xf32> to vector<80x80xf32>
      %slice3A_438 = vector.extract_strided_slice %add3A_434 {offsets = [0, 80], sizes = [1, 80], strides = [1, 1]} : vector<1x160xf32> to vector<1x80xf32>
      %broadcast_in_dim3A_439 = vector.shape_cast %slice3A_438 : vector<1x80xf32> to vector<1x80xf32>
      %broadcast_in_dim3A_440 = vector.broadcast %broadcast_in_dim3A_439 : vector<1x80xf32> to vector<80x80xf32>
      %concatenate3A_441 = tpu.concatenate %broadcast_in_dim3A_437, %broadcast_in_dim3A_440 in 0 : vector<80x80xf32>, vector<80x80xf32> -> vector<160x80xf32>
      %add3A_442 = vector.broadcast %slice3A_418 : vector<160x1xf32> to vector<160x80xf32>
      %add3A_443 = arith.addf %add3A_442, %concatenate3A_441 : vector<160x80xf32>
      %gt3A_444 = arith.constant 0.000000e+00 : f32
      %gt3A_445 = vector.broadcast %gt3A_444 : f32 to vector<160x80xf32>
      %gt3A_446 = arith.cmpf ogt, %add3A_443, %gt3A_445 : vector<160x80xf32>
      %mul3A_447 = arith.constant 2.000000e-01 : f32
      %mul3A_448 = vector.broadcast %mul3A_447 : f32 to vector<160x80xf32>
      %mul3A_449 = arith.mulf %mul3A_448, %add3A_443 : vector<160x80xf32>
      %select_n3A_450 = arith.select %gt3A_446, %add3A_443, %mul3A_449 : vector<160x80xi1>, vector<160x80xf32>
      %mul3A_451 = arith.constant 1.000000e+00 : f32
      %mul3A_452 = vector.broadcast %mul3A_451 : f32 to vector<160x80xf32>
      %mul3A_453 = arith.mulf %mul3A_452, %slice3A_417 : vector<160x80xf32>
      %add3A_454 = arith.addf %select_n3A_450, %mul3A_453 : vector<160x80xf32>
      %reduce_max3A_455 = arith.constant dense<0xFF800000> : vector<160xf32>
      %reduce_max3A_456 = vector.multi_reduction <maximumf>, %add3A_454, %reduce_max3A_455 [1] : vector<160x80xf32> to vector<160xf32>
      %broadcast_in_dim3A_457 = vector.shape_cast %reduce_max3A_456 : vector<160xf32> to vector<160x1xf32>
      %sub3A_458 = vector.broadcast %broadcast_in_dim3A_457 : vector<160x1xf32> to vector<160x80xf32>
      %sub3A_459 = arith.subf %add3A_454, %sub3A_458 : vector<160x80xf32>
      %exp3A_460 = math.exp %sub3A_459 : vector<160x80xf32>
      %reduce_sum3A_461 = arith.constant dense<0.000000e+00> : vector<160xf32>
      %reduce_sum3A_462 = vector.multi_reduction <add>, %exp3A_460, %reduce_sum3A_461 [1] : vector<160x80xf32> to vector<160xf32>
      %broadcast_in_dim3A_463 = vector.shape_cast %reduce_sum3A_462 : vector<160xf32> to vector<160x1xf32>
      %reshape3A_464 = vector.shape_cast %slice3A_416 : vector<160x128xf32> to vector<2x80x128xf32>
      %swap3A_465 = arith.index_cast %mul3A_391 : i32 to index
      %swap3A_466 = arith.constant 0 : index
      %swap3A_467 = arith.constant 0 : index
      %swap3A_468 = vector.load %arg4[%swap3A_465, %swap3A_466, %swap3A_467] : memref<50x80x128xf32, #tpu.memory_space<vmem>>, vector<2x80x128xf32>
      tpu.vector_store %arg4[%swap3A_465, %swap3A_466, %swap3A_467], %reshape3A_464 {strides = array<i32>} : memref<50x80x128xf32, #tpu.memory_space<vmem>>, vector<2x80x128xf32>,
      %add3A_469 = arith.constant 1.000000e-16 : f32
      %add3A_470 = vector.broadcast %add3A_469 : f32 to vector<160x1xf32>
      %add3A_471 = arith.addf %broadcast_in_dim3A_463, %add3A_470 : vector<160x1xf32>
      %div3A_472 = vector.broadcast %add3A_471 : vector<160x1xf32> to vector<160x80xf32>
      %div3A_473 = arith.divf %exp3A_460, %div3A_472 : vector<160x80xf32>
      %reshape3A_474 = vector.shape_cast %div3A_473 : vector<160x80xf32> to vector<2x80x80xf32>
      %swap3A_475 = arith.index_cast %mul3A_391 : i32 to index
      %swap3A_476 = arith.constant 0 : index
      %swap3A_477 = arith.constant 0 : index
      %swap3A_478 = vector.load %arg5[%swap3A_475, %swap3A_476, %swap3A_477] : memref<50x80x80xf32, #tpu.memory_space<vmem>>, vector<2x80x80xf32>
      tpu.vector_store %arg5[%swap3A_475, %swap3A_476, %swap3A_477], %reshape3A_474 {strides = array<i32>} : memref<50x80x80xf32, #tpu.memory_space<vmem>>, vector<2x80x80xf32>,
      %scan3A_479 = arith.constant 4 : i32
      %scan3A_480 = arith.addi %scan3A_120, %scan3A_479 : i32
      %mul3A_481 = arith.constant 2 : i32
      %mul3A_482 = arith.muli %mul3A_481, %scan3A_480 : i32
      %mul3A_483 = arith.constant 100 : i32
      %mul3A_484 = arith.muli %mul3A_482, %mul3A_483 : i32
      %get3A_485 = arith.index_cast %mul3A_484 : i32 to index
      %get3A_486 = arith.constant 0 : index
      %get3A_487 = vector.load %arg2[%get3A_485, %get3A_486] : memref<5000x128xf32, #tpu.memory_space<vmem>>, vector<200x128xf32>
      %mul3A_488 = arith.constant 100 : i32
      %mul3A_489 = arith.muli %mul3A_482, %mul3A_488 : i32
      %get3A_490 = arith.index_cast %mul3A_489 : i32 to index
      %get3A_491 = arith.constant 0 : index
      %get3A_492 = vector.load %arg6[%get3A_490, %get3A_491] : memref<5000x80xf32, #tpu.memory_space<vmem>>, vector<200x80xf32>
      %mul3A_493 = arith.constant 100 : i32
      %mul3A_494 = arith.muli %mul3A_482, %mul3A_493 : i32
      %get3A_495 = arith.index_cast %mul3A_494 : i32 to index
      %get3A_496 = arith.constant 0 : index
      %get3A_497 = vector.load %arg7[%get3A_495, %get3A_496] : memref<5000x2xf32, #tpu.memory_space<vmem>>, vector<200x2xf32>
      %concatenate3A_498 = tpu.concatenate %get3A_487, %get3A_492, %get3A_497 in 1 : vector<200x128xf32>, vector<200x80xf32>, vector<200x2xf32> -> vector<200x210xf32>
      %convert_element_type3A_499 = arith.truncf %concatenate3A_498 : vector<200x210xf32> to vector<200x210xbf16>
      %convert_element_type3A_500 = arith.extf %convert_element_type3A_499 : vector<200x210xbf16> to vector<200x210xf32>
      %sub3A_501 = arith.subf %concatenate3A_498, %convert_element_type3A_500 : vector<200x210xf32>
      %dot_general3A_502 = arith.constant dense<0.000000e+00> : vector<160x210xf32>
      %dot_general3A_503 = tpu.matmul %concatenate3A_114, %convert_element_type3A_500, %dot_general3A_502 {dimension_numbers = #tpu.dot_dimension_numbers<[1], [0], [0], [1], [0, 0, 1, 1], [], []>, transpose_lhs_hint = false} : vector<160x200xf32>, vector<200x210xf32>, vector<160x210xf32> -> vector<160x210xf32>
      %dot_general3A_504 = arith.constant dense<0.000000e+00> : vector<160x210xf32>
      %dot_general3A_505 = tpu.matmul %concatenate3A_114, %sub3A_501, %dot_general3A_504 {dimension_numbers = #tpu.dot_dimension_numbers<[1], [0], [0], [1], [0, 0, 1, 1], [], []>, transpose_lhs_hint = false} : vector<160x200xf32>, vector<200x210xf32>, vector<160x210xf32> -> vector<160x210xf32>
      %add3A_506 = arith.addf %dot_general3A_503, %dot_general3A_505 : vector<160x210xf32>
      %slice3A_507 = vector.extract_strided_slice %add3A_506 {offsets = [0, 0], sizes = [160, 128], strides = [1, 1]} : vector<160x210xf32> to vector<160x128xf32>
      %slice3A_508 = vector.extract_strided_slice %add3A_506 {offsets = [0, 128], sizes = [160, 80], strides = [1, 1]} : vector<160x210xf32> to vector<160x80xf32>
      %slice3A_509 = vector.extract_strided_slice %add3A_506 {offsets = [0, 208], sizes = [160, 1], strides = [1, 1]} : vector<160x210xf32> to vector<160x1xf32>
      %slice3A_510 = vector.extract_strided_slice %add3A_506 {offsets = [0, 209], sizes = [160, 1], strides = [1, 1]} : vector<160x210xf32> to vector<160x1xf32>
      %slice3A_511 = vector.extract_strided_slice %slice3A_510 {offsets = [0, 0], sizes = [80, 1], strides = [1, 1]} : vector<160x1xf32> to vector<80x1xf32>
      %mul3A_512 = vector.broadcast %slice3A_511 : vector<80x1xf32> to vector<80x80xf32>
      %mul3A_513 = arith.mulf %select_n3A_73, %mul3A_512 : vector<80x80xf32>
      %slice3A_514 = vector.extract_strided_slice %slice3A_510 {offsets = [80, 0], sizes = [80, 1], strides = [1, 1]} : vector<160x1xf32> to vector<80x1xf32>
      %mul3A_515 = vector.broadcast %slice3A_514 : vector<80x1xf32> to vector<80x80xf32>
      %mul3A_516 = arith.mulf %select_n3A_73, %mul3A_515 : vector<80x80xf32>
      %concatenate3A_517 = tpu.concatenate %mul3A_513, %mul3A_516 in 1 : vector<80x80xf32>, vector<80x80xf32> -> vector<80x160xf32>
      %convert_element_type3A_518 = arith.truncf %concatenate3A_517 : vector<80x160xf32> to vector<80x160xbf16>
      %convert_element_type3A_519 = arith.extf %convert_element_type3A_518 : vector<80x160xbf16> to vector<80x160xf32>
      %sub3A_520 = arith.subf %concatenate3A_517, %convert_element_type3A_519 : vector<80x160xf32>
      %dot_general3A_521 = arith.constant dense<0.000000e+00> : vector<1x160xf32>
      %dot_general3A_522 = tpu.matmul %broadcast_in_dim3A_75, %convert_element_type3A_519, %dot_general3A_521 {dimension_numbers = #tpu.dot_dimension_numbers<[1], [0], [0], [1], [0, 0, 1, 1], [], []>, transpose_lhs_hint = false} : vector<1x80xf32>, vector<80x160xf32>, vector<1x160xf32> -> vector<1x160xf32>
      %dot_general3A_523 = arith.constant dense<0.000000e+00> : vector<1x160xf32>
      %dot_general3A_524 = tpu.matmul %broadcast_in_dim3A_75, %sub3A_520, %dot_general3A_523 {dimension_numbers = #tpu.dot_dimension_numbers<[1], [0], [0], [1], [0, 0, 1, 1], [], []>, transpose_lhs_hint = false} : vector<1x80xf32>, vector<80x160xf32>, vector<1x160xf32> -> vector<1x160xf32>
      %add3A_525 = arith.addf %dot_general3A_522, %dot_general3A_524 : vector<1x160xf32>
      %slice3A_526 = vector.extract_strided_slice %add3A_525 {offsets = [0, 0], sizes = [1, 80], strides = [1, 1]} : vector<1x160xf32> to vector<1x80xf32>
      %broadcast_in_dim3A_527 = vector.shape_cast %slice3A_526 : vector<1x80xf32> to vector<1x80xf32>
      %broadcast_in_dim3A_528 = vector.broadcast %broadcast_in_dim3A_527 : vector<1x80xf32> to vector<80x80xf32>
      %slice3A_529 = vector.extract_strided_slice %add3A_525 {offsets = [0, 80], sizes = [1, 80], strides = [1, 1]} : vector<1x160xf32> to vector<1x80xf32>
      %broadcast_in_dim3A_530 = vector.shape_cast %slice3A_529 : vector<1x80xf32> to vector<1x80xf32>
      %broadcast_in_dim3A_531 = vector.broadcast %broadcast_in_dim3A_530 : vector<1x80xf32> to vector<80x80xf32>
      %concatenate3A_532 = tpu.concatenate %broadcast_in_dim3A_528, %broadcast_in_dim3A_531 in 0 : vector<80x80xf32>, vector<80x80xf32> -> vector<160x80xf32>
      %add3A_533 = vector.broadcast %slice3A_509 : vector<160x1xf32> to vector<160x80xf32>
      %add3A_534 = arith.addf %add3A_533, %concatenate3A_532 : vector<160x80xf32>
      %gt3A_535 = arith.constant 0.000000e+00 : f32
      %gt3A_536 = vector.broadcast %gt3A_535 : f32 to vector<160x80xf32>
      %gt3A_537 = arith.cmpf ogt, %add3A_534, %gt3A_536 : vector<160x80xf32>
      %mul3A_538 = arith.constant 2.000000e-01 : f32
      %mul3A_539 = vector.broadcast %mul3A_538 : f32 to vector<160x80xf32>
      %mul3A_540 = arith.mulf %mul3A_539, %add3A_534 : vector<160x80xf32>
      %select_n3A_541 = arith.select %gt3A_537, %add3A_534, %mul3A_540 : vector<160x80xi1>, vector<160x80xf32>
      %mul3A_542 = arith.constant 1.000000e+00 : f32
      %mul3A_543 = vector.broadcast %mul3A_542 : f32 to vector<160x80xf32>
      %mul3A_544 = arith.mulf %mul3A_543, %slice3A_508 : vector<160x80xf32>
      %add3A_545 = arith.addf %select_n3A_541, %mul3A_544 : vector<160x80xf32>
      %reduce_max3A_546 = arith.constant dense<0xFF800000> : vector<160xf32>
      %reduce_max3A_547 = vector.multi_reduction <maximumf>, %add3A_545, %reduce_max3A_546 [1] : vector<160x80xf32> to vector<160xf32>
      %broadcast_in_dim3A_548 = vector.shape_cast %reduce_max3A_547 : vector<160xf32> to vector<160x1xf32>
      %sub3A_549 = vector.broadcast %broadcast_in_dim3A_548 : vector<160x1xf32> to vector<160x80xf32>
      %sub3A_550 = arith.subf %add3A_545, %sub3A_549 : vector<160x80xf32>
      %exp3A_551 = math.exp %sub3A_550 : vector<160x80xf32>
      %reduce_sum3A_552 = arith.constant dense<0.000000e+00> : vector<160xf32>
      %reduce_sum3A_553 = vector.multi_reduction <add>, %exp3A_551, %reduce_sum3A_552 [1] : vector<160x80xf32> to vector<160xf32>
      %broadcast_in_dim3A_554 = vector.shape_cast %reduce_sum3A_553 : vector<160xf32> to vector<160x1xf32>
      %reshape3A_555 = vector.shape_cast %slice3A_507 : vector<160x128xf32> to vector<2x80x128xf32>
      %swap3A_556 = arith.index_cast %mul3A_482 : i32 to index
      %swap3A_557 = arith.constant 0 : index
      %swap3A_558 = arith.constant 0 : index
      %swap3A_559 = vector.load %arg4[%swap3A_556, %swap3A_557, %swap3A_558] : memref<50x80x128xf32, #tpu.memory_space<vmem>>, vector<2x80x128xf32>
      tpu.vector_store %arg4[%swap3A_556, %swap3A_557, %swap3A_558], %reshape3A_555 {strides = array<i32>} : memref<50x80x128xf32, #tpu.memory_space<vmem>>, vector<2x80x128xf32>,
      %add3A_560 = arith.constant 1.000000e-16 : f32
      %add3A_561 = vector.broadcast %add3A_560 : f32 to vector<160x1xf32>
      %add3A_562 = arith.addf %broadcast_in_dim3A_554, %add3A_561 : vector<160x1xf32>
      %div3A_563 = vector.broadcast %add3A_562 : vector<160x1xf32> to vector<160x80xf32>
      %div3A_564 = arith.divf %exp3A_551, %div3A_563 : vector<160x80xf32>
      %reshape3A_565 = vector.shape_cast %div3A_564 : vector<160x80xf32> to vector<2x80x80xf32>
      %swap3A_566 = arith.index_cast %mul3A_482 : i32 to index
      %swap3A_567 = arith.constant 0 : index
      %swap3A_568 = arith.constant 0 : index
      %swap3A_569 = vector.load %arg5[%swap3A_566, %swap3A_567, %swap3A_568] : memref<50x80x80xf32, #tpu.memory_space<vmem>>, vector<2x80x80xf32>
      tpu.vector_store %arg5[%swap3A_566, %swap3A_567, %swap3A_568], %reshape3A_565 {strides = array<i32>} : memref<50x80x80xf32, #tpu.memory_space<vmem>>, vector<2x80x80xf32>,
    }
    %scan3A_119 = arith.constant 25 : i32
    return
  }
}

</mosaic_0001>

<sc_bundles>
// kernel: kernel.4.cloned.1.call-start
scs
__scs_entry_jumppad:
0x0: {  	(pc) =	sbr.rel $0x88, $3  }
0x1: {  	(tag) =	ssettag $0x0;
	lr =	simm.s32 $0x1  }
0x2: {  	[smem:$0x3F9C] =	sst lr;
	_ =	strace $0xD0000000  }
0x3: {  	_ = 	snop  }
0x4: {  	_ = 	snop  }
0x5: {  	_ = 	snop  }
0x6: {  	_ = 	snop  }
0x7: {  	_ = 	snop  }
__scs_overlays_trampoline_lowered:
0x8: {  	[smem:$0x3FAB] =	sst s0  }
0x9: {  	[smem:$0x3FAC] =	sst s1  }
0xa: {  	[smem:$0x3FAD] =	sst s2  }
0xb: {  	[smem:$0x3FAE] =	sst s3  }
0xc: {  	[smem:$0x3FAF] =	sst s4  }
0xd: {  	[smem:$0x3FB0] =	sst s5  }
0xe: {  	[smem:$0x3FB1] =	sst s6  }
0xf: {  	[smem:$0x3FB2] =	sst s7  }
0x10: {  	[smem:$0x3FB3] =	sst s8  }
0x11: {  	[smem:$0x3FB4] =	sst s9;
	s0 =	simm.s32 @!p0 $0x0  }
0x12: {  	s1 =	sld [smem:$0x3F9A];
	s0 =	simm.s32 @p0 $0x1  }
0x13: {  	[smem:$0x3FB5] =	sst s0;
	s0 =	simm.s32 @!p1 $0x0  }
0x14: {  	s2 =	sld [smem:$0x3F99];
	s0 =	simm.s32 @p1 $0x1  }
0x15: {  	[smem:$0x3FB6] =	sst s0;
	s0 =	simm.s32 @!p2 $0x0  }
0x16: {  	s3 =	sld [smem:$0x3FDB];
	s0 =	simm.s32 @p2 $0x1  }
0x17: {  	s4 =	simm.s32 $0x1BF5;
	[smem:$0x3FB8] =	sst s0  }
0x18: {  	s0 =	sld [smem:$0x3F9B];
	_ =	swait.ge [sflag:s4], $0x0  }
0x19: {  	s7 =	sld [smem:$0x3F9C]  }
0x1a: {  	s8 =	sadd.s32 $0xFFFFE003, lr  }
0x1b: {  	s9 =	sadd.s32 $0xFFFFFEF7, lr;
	s5 =	simm.s32 $0xFFFFFFFF;
	p2 =	slt.u32 s8, $0xFFFFF086  }
0x1c: {  	p1 =	slt.u32 s9, $0xF7A;
	s5 =	simm.s32 @!p2 $0x0  }
0x1d: {  	s5 =	simm.s32 @p1 $0x1;
	p0 =	seq.s32 s7, s2  }
0x1e: {  	s7 =	smul.u32 @!p0 $0xF7A, s2;
	p2 =	seq.s32 @!p0 s5, $0x0  }
0x1f: {  	s9 =	smul.u32 $0xF7A, s1;
	s8 =	simm.s32 @!p0 $0x1BF5;
	p2 =	por !p2, p0  }
0x20: {  	[sflag:s8] =	ssyncset.s32 @!p0 $0xFFFFF086;
	s6 =	sadd.s32 @!p0 s3, s7;
	s7 =	simm.s32 @!p0 $0x108  }
0x21: {  	s3 =	sadd.s32 s3, s9;
	s6 =	sadd.s32 @!p0 $0x88, s6;
	s7 =	simm.s32 @p2 $0x1082  }
0x22: {  	[simem:s7], [sflag:s8] =	dma.local @!p0 [hbm:s6], $0xF7A  }
0x23: {  	s9 =	sor.u32 $0xD0000000, s2;
	s6 =	simm.s32 $0x108;
	_ =	swait.ge @!p0 [sflag:s8], $0x0  }
0x24: {  	s3 =	sadd.s32 $0x88, s3;
	s6 =	simm.s32 @!p1 $0x1082;
	[sflag:s4] =	ssyncset.s32 $0xFFFFF086  }
0x25: {  	[simem:s6], [sflag:s4] =	dma.local [hbm:s3], $0xF7A  }
0x26: {  	[smem:$0x3F9C] =	sst s1;
	(tag) =	ssettag s2;
	_ =	strace s9  }
0x27: {  	s1 =	sld [smem:$0x3FAC]  }
0x28: {  	s2 =	sld [smem:$0x3FAD]  }
0x29: {  	s4 =	sld [smem:$0x3FAF]  }
0x2a: {  	p0 =	seq.s32 s5, $0x0;
	s5 =	sld [smem:$0x3FB0]  }
0x2b: {  	s6 =	sld [smem:$0x3FB1]  }
0x2c: {  	s7 =	sld [smem:$0x3FB2]  }
0x2d: {  	s3 =	simm.s32 $0x108;
	s8 =	sld [smem:$0x3FB3]  }
0x2e: {  	s3 =	simm.s32 @!p0 $0x1082;
	s9 =	sld [smem:$0x3FB4]  }
0x2f: {  	lr =	sadd.s32 s0, s3;
	s0 =	sld [smem:$0x3FAB]  }
0x30: {  	s3 =	sld [smem:$0x3FAE]  }
0x31: {  	[smem:$0x3FB7] =	sst s10  }
0x32: {  	s10 =	sld [smem:$0x3FB5];
	_ =	sdelay $0x3  }
0x33: {  	p0 =	seq.s32 s10, $0x1;
	s10 =	sld [smem:$0x3FB7];
	_ =	sdelay $0x3  }
0x34: {  	[smem:$0x3FB7] =	sst s10  }
0x35: {  	s10 =	sld [smem:$0x3FB6];
	_ =	sdelay $0x3  }
0x36: {  	p1 =	seq.s32 s10, $0x1;
	s10 =	sld [smem:$0x3FB7];
	_ =	sdelay $0x3  }
0x37: {  	[smem:$0x3FB7] =	sst s10  }
0x38: {  	s10 =	sld [smem:$0x3FB8]  }
0x39: {  	_ = 	snop;
	(pc) =	sbr.ind lr, $3  }
0x3a: {  	_ = 	snop  }
0x3b: {  	_ = 	snop  }
0x3c: {  	p2 =	seq.s32 s10, $0x1;
	s10 =	sld [smem:$0x3FB7]  }
0x3d: {  	_ =	shalt  }
0x3e: {  	_ =	shalt  }
0x3f: {  	_ =	shalt  }
0x40: {  	_ =	shalt  }
0x41: {  	_ =	shalt  }
0x42: {  	_ =	shalt  }
0x43: {  	_ =	shalt  }
0x44: {  	_ =	shalt  }
0x45: {  	_ =	shalt  }
0x46: {  	_ =	shalt  }
0x47: {  	_ =	shalt  }
0x48: {  	_ =	shalt  }
0x49: {  	_ =	shalt  }
0x4a: {  	_ =	shalt  }
0x4b: {  	_ =	shalt  }
0x4c: {  	_ =	shalt  }
0x4d: {  	_ =	shalt  }
0x4e: {  	_ =	shalt  }
0x4f: {  	_ =	shalt  }
0x50: {  	_ =	shalt  }
0x51: {  	_ =	shalt  }
0x52: {  	_ =	shalt  }
0x53: {  	_ =	shalt  }
0x54: {  	_ =	shalt  }
0x55: {  	_ =	shalt  }
0x56: {  	_ =	shalt  }
0x57: {  	_ =	shalt  }
0x58: {  	_ =	shalt  }
0x59: {  	_ =	shalt  }
0x5a: {  	_ =	shalt  }
0x5b: {  	_ =	shalt  }
0x5c: {  	_ =	shalt  }
0x5d: {  	_ =	shalt  }
0x5e: {  	_ =	shalt  }
0x5f: {  	_ =	shalt  }
0x60: {  	_ =	shalt  }
0x61: {  	_ =	shalt  }
0x62: {  	_ =	shalt  }
0x63: {  	_ =	shalt  }
0x64: {  	_ =	shalt  }
0x65: {  	_ =	shalt  }
0x66: {  	_ =	shalt  }
0x67: {  	_ =	shalt  }
0x68: {  	_ =	shalt  }
0x69: {  	_ =	shalt  }
0x6a: {  	_ =	shalt  }
0x6b: {  	_ =	shalt  }
0x6c: {  	_ =	shalt  }
0x6d: {  	_ =	shalt  }
0x6e: {  	_ =	shalt  }
0x6f: {  	_ =	shalt  }
0x70: {  	_ =	shalt  }
0x71: {  	_ =	shalt  }
0x72: {  	_ =	shalt  }
0x73: {  	_ =	shalt  }
0x74: {  	_ =	shalt  }
0x75: {  	_ =	shalt  }
0x76: {  	_ =	shalt  }
0x77: {  	_ =	shalt  }
0x78: {  	_ =	shalt  }
0x79: {  	_ =	shalt  }
0x7a: {  	_ =	shalt  }
0x7b: {  	_ =	shalt  }
0x7c: {  	_ =	shalt  }
0x7d: {  	_ =	shalt  }
0x7e: {  	_ =	shalt  }
0x7f: {  	_ =	shalt  }
0x80: {  	_ =	shalt  }
0x81: {  	_ =	shalt  }
0x82: {  	_ =	shalt  }
0x83: {  	_ =	shalt  }
0x84: {  	_ =	shalt  }
0x85: {  	_ =	shalt  }
0x86: {  	_ =	shalt  }
0x87: {  	_ =	shalt  }
.Lfunc_end0:
.L_simem_size_0:
called_computation_lowered:
.L_overlay_start_0:
0x88: {  	s2 =	sld [smem:$0x3FD9]  }
0x89: {  	s3 =	sld [smem:$0x3FFE];
	_ =	sdelay $0x1  }
0x8a: {  	s1 =	srdreg.scid  }
0x8b: {  	s0 =	sand.u32 $0x1, s1  }
0x8c: {  	s14 =	sshll.u32 s0, $0xA;
	s2 =	sadd.s32 s3, s2  }
0x8d: {  	s2 =	sadd.s32 s2, s14  }
0x8e: {  	[smem:$0x3FC3] =	sst s2  }
0x8f: {  	_ = 	snop  }
0x90: {  	s2 =	sld [smem:$0x3FD0];
	_ =	sdelay $0x2  }
0x91: {  	s4 =	simm.s32 $0xA;
	s5 =	simm.s32 $0x10;
	s15 =	sld [smem:$0x3FC7]  }
0x92: {  	[smem:s5], [sflag:s4] =	dma.local [hbm:s2], $0x1  }
0x93: {  	_ =	swait.eq [sflag:s4], $0x1  }
0x94: {  	[sflag:s4] =	ssyncset.done $0x0  }
0x95: {  	s16 =	sld [smem:$0x11];
	[sflag:s4] =	ssyncadd.s32 $0xFFFFFFFF  }
0x96: {  	s17 =	sld [smem:$0x12];
	(tm) =	ssettm $0x1  }
0x97: {  	s18 =	sld [smem:$0x3FFB];
	_ =	sdelay $0x3  }
0x98: {  	_ =	strace s18  }
0x99: {  	s5 =	sld [smem:$0x3FFC];
	_ =	sdelay $0x3  }
0x9a: {  	_ =	strace s5  }
0x9b: {  	s5 =	sld [smem:$0x3FFD];
	_ =	sdelay $0x3  }
0x9c: {  	_ =	strace s5  }
0x9d: {  	_ =	strace $0x8FFFFFFF  }
0x9e: {  	s19 =	sld [smem:$0x3FDB];
	_ =	sdelay $0x1  }
0x9f: {  	s6 =	simm.s32 $_scs_section_size  }
0xa0: {  	s7 =	simm.s32 $_size__tile_overlayer_lowered;
	s8 =	simm.s32 $_tile_overlayer_lowered  }
0xa1: {  	s22 =	simm.s32 $0x1BFF;
	s21 =	sshll.u32 s8, $0x1;
	s5 =	sadd.s32 s6, s19  }
0xa2: {  	s9 =	simm.s32 $0x0;
	s20 =	sshll.u32 s7, $0x1;
	s7 =	sadd.s32 s21, s5  }
0xa3: {  	[timem:s9], [sflag:s22] =	dma.local [hbm:s7], s20  }
0xa4: {  	_ =	swait.ge [sflag:s22], s20  }
0xa5: {  	s6 =	ssub.s32 $0x0, s20;
	[sflag:s22] =	ssyncset.done $0x0  }
0xa6: {  	[sflag:s22] =	ssyncadd.s32 s6;
	_ =	sdelay $0x1  }
0xa7: {  	s23 =	simm.s32 $0x1B8B  }
0xa8: {  	_ =	swait.ge [sflag:s23], $0x1  }
0xa9: {  	[sflag:s23] =	ssyncset.done $0x0  }
0xaa: {  	s25 =	simm.s32 $0x1B8E;
	s24 =	sld [smem:$0x3FFE];
	[sflag:s23] =	ssyncadd.s32 $0xFFFFFFFF  }
0xab: {  	s26 =	simm.s32 $execute0_lowered;
	[smem:$0x3FD2] =	sst s25  }
0xac: {  	s7 =	sshll.u32 s26, $0x1;
	_ =	strace $0x80000046;
	[dreg:$0x1] =	wrdreg $0xFFFFFFFF  }
0xad: {  	s28 =	simm.s32 $_size_execute0_lowered;
	s5 =	sadd.s32 s5, s7;
	[dreg:$0x0] =	wrdreg $0x0  }
0xae: {  	s7 =	sshll.u32 s28, $0x1;
	[dreg:$0x2] =	wrdreg s5  }
0xaf: {  	[dreg:$0x3] =	wrdreg s7  }
0xb0: {  	[dreg:$0x4] =	wrdreg $0xC0  }
0xb1: {  	_ =	task [dreg:s9], $0x5FFFF  }
0xb2: {  	[dreg:$0x1] =	wrdreg $0xFFFFFFFF  }
0xb3: {  	[dreg:$0x0] =	wrdreg $0x60  }
0xb4: {  	[dreg:$0x2] =	wrdreg s17  }
0xb5: {  	[dreg:$0x3] =	wrdreg s15  }
0xb6: {  	[dreg:$0x4] =	wrdreg s16  }
0xb7: {  	[dreg:$0x5] =	wrdreg s24  }
0xb8: {  	[dreg:$0x6] =	wrdreg $0x9  }
0xb9: {  	_ =	task.clear_ibuf [dreg:s9], $0x7FFFF;
	_ =	strace $0x90000046  }
0xba: {  	s29 =	simm.s32 $0x9;
	_ =	strace $0x80000048  }
0xbb: {  	_ =	swait.ge [sflag:s29], $0x1  }
0xbc: {  	[sflag:s29] =	ssyncadd.s32 $0xFFFFFFFF  }
0xbd: {  	_ =	strace $0x90000048  }
0xbe: {  	_ =	sfence  }
0xbf: {  	s30 =	sld [smem:$0x0];
	_ =	sdelay $0x2  }
0xc0: {  	s31 =	sshll.u32 s1, $0xD;
	s1 =	sshrl.u32 s1, $0x2  }
0xc1: {  	s3 =	sand.u32 $0x4000, s31;
	s1 =	sadd.s32 s1, s30  }
0xc2: {  	s0 =	sor.u32 s3, s0;
	s1 =	sshll.u32 s1, $0x11  }
0xc3: {  	s0 =	sor.u32 s1, s0  }
0xc4: {  	s0 =	sadd.s32 $0x8F2B, s0  }
0xc5: {  	[sflag:s0] =	ssyncadd.remote.s32 $0x1  }
0xc6: {  	_ =	sfence.sel $0xFFFF  }
0xc7: {  	[dreg:$0x0] =	wrdreg $0xFFFFFFFF;
	(pc) =	sbr.abs _section_cstart, $3  }
0xc8: {  	[dreg:$0x1] =	wrdreg $0xFFFFFFFF  }
0xc9: {  	_ =	task.clear_ibuf [dreg:s9], $0x2FFFF;
	_ =	strace $0x9FFFFFFF  }
0xca: {  	(tm) =	ssettm $0x7FFFFFFF  }
0xcb: {  	_ =	shalt  }
tec
execute0_lowered:
.L_overlay_start_1:
0x0: {  	(tag) =	ssettag $0x1  }
0x1: {  	s0 =	rddreg [dreg:$0x0]  }
0x2: {  	s1 =	rddreg [dreg:$0x1]  }
0x3: {  	s11 =	rddreg [dreg:$0x2];
	s2 =	srdreg.scid  }
0x4: {  	s10 =	stileid.u32;
	s4 =	rddreg [dreg:$0x3];
	s16 =	simm.s32 $0x6280  }
0x5: {  	s17 =	simm.s32 $0x6900;
	s18 =	simm.s32 $0x6F80;
	s19 =	simm.s32 $0x1  }
0x6: {  	s20 =	simm.s32 $0x1380;
	s28 =	simm.s32 $0x3;
	s29 =	simm.s32 $0x0  }
0x7: {  	s3 =	sand.u32 $0x1, s2;
	s5 =	sshll.u32 s10, $0x1;
	s2 =	simm.s32 $0x0  }
0x8: {  	p0 =	slt.u32 s10, $0x9;
	s13 =	sadd.s32 $0x1200, s4;
	s22 =	sshrl.u32 s10, $0x2  }
0x9: {  	s9 =	sor.u32 s3, s5;
	[smem:$0x7FF] =	sst s2;
	s23 =	smul.u32 $0x13C00, s22  }
0xa: {  	s7 =	ssub.s32 $0x2, s3;
	s22 =	simm.s32 $0x80;
	s5 =	smul.u32 $0x640, s9  }
0xb: {  	_ =	strace $0x80000047;
	s6 =	sor.u32 $0x20, s9;
	s12 =	smov.u32 s9  }
0xc: {  	s21 =	sshrl.u32 s7, $0x1;
	s24 =	sshll.u32 s9, $0x7;
	s12 =	smov.u32 @p0 s6  }
0xd: {  	s14 =	ssub.s32 s7, s21;
	s10 =	sand.u32 $0x380, s24;
	s21 =	simm.s32 $0x3B00  }
0xe: {  	s24 =	simm.s32 $0x2;
	s5 =	sshrl.u32 s5, $0x3;
	s8 =	smul.u32 $0x640, s12  }
0xf: {  	s15 =	sshrl.u32 s12, $0x3;
	s26 =	sshll.u32 s12, $0x7;
	s31 =	smul.u32 $0x64, s12  }
0x10: {  	s3 =	sadd.s32 s0, s5;
	s5 =	sadd.s32 s1, s5;
	s25 =	smul.u32 $0x13C00, s15  }
0x11: {  	s30 =	sand.u32 $0x380, s26;
	s26 =	smul.u32 $0x64, s9;
	s8 =	sshrl.u32 s8, $0x3  }
0x12: {  	s15 =	simm.s32 $0xD00;
	s4 =	sadd.s32 $0x2710, s3;
	s6 =	sadd.s32 s0, s8  }
0x13: {  	s0 =	sor.u32 s23, s10;
	s8 =	sadd.s32 s1, s8;
	s1 =	sor.u32 s30, s25  }
0x14: {  	s23 =	simm.s32 $0x400;
	s25 =	simm.s32 $0x7600;
	v0 =	vmov s26;
	s26 =	simm.s32 $0x9D80  }
0x15: {  	s7 =	sadd.s32 $0x2710, s6;
	s0 =	sshrl.u32 s0, $0x3;
	s1 =	sshrl.u32 s1, $0x3  }
0x16: {  	s9 =	sadd.s32 s11, s0;
	s10 =	sadd.s32 s13, s0;
	s11 =	sadd.s32 s11, s1  }
0x17: {  	v2 =	vimm.f32 $0.0e+00;
	v1 =	vmov s31;
	s12 =	sadd.s32 s13, s1;
	s13 =	smax.u32 s14, $0x1;
	s14 =	simm.s32 $0x680  }
.LBB2_1:
0x18: {  	[tilespmem:s2], [sflag:$0x1] =	stream.linear.gather [hbm4b:s3+s2], $0x640, $0x38;
	[tilespmem:$0xC500] =	vst v63  }
0x19: {  	_ = 	snop  }
0x1a: {  	[tilespmem:s14], [sflag:$0x1] =	stream.linear.gather [hbm4b:s4+s2], $0x640, $0x38;
	[tilespmem:$0xC500] =	vst v63  }
0x1b: {  	_ = 	snop  }
0x1c: {  	[tilespmem:s15], [sflag:$0x1] =	stream.linear.gather [hbm4b:s5+s2], $0x640, $0x38;
	[tilespmem:$0xC500] =	vst v63  }
0x1d: {  	_ = 	snop  }
0x1e: {  	[tilespmem:s16], [sflag:$0x2] =	stream.linear.gather [hbm4b:s6+s2], $0x640, $0x38;
	[tilespmem:$0xC500] =	vst v63  }
0x1f: {  	_ = 	snop  }
0x20: {  	[tilespmem:s17], [sflag:$0x2] =	stream.linear.gather [hbm4b:s7+s2], $0x640, $0x38;
	[tilespmem:$0xC500] =	vst v63  }
0x21: {  	s0 =	simm.s32 $0x13C0  }
0x22: {  	[tilespmem:s18], [sflag:$0x2] =	stream.linear.gather [hbm4b:s8+s2], $0x640, $0x38;
	[tilespmem:$0xC500] =	vst v63  }
0x23: {  	s30 =	simm.s32 $0x3B40;
	[tilespmem:s0+$0xFFFFFFC0] =	vst v2  }
0x24: {  	[tilespmem:s30+$0xFFFFFFC0] =	vst v2  }
0x25: {  	[tilespmem:s0+$0xFFFFFFD0] =	vst v2  }
0x26: {  	[tilespmem:s30+$0xFFFFFFD0] =	vst v2  }
0x27: {  	[tilespmem:s0+$0xFFFFFFE0] =	vst v2  }
0x28: {  	[tilespmem:s30+$0xFFFFFFE0] =	vst v2  }
0x29: {  	[tilespmem:s0+$0xFFFFFFF0] =	vst v2  }
0x2a: {  	[tilespmem:s30+$0xFFFFFFF0] =	vst v2  }
0x2b: {  	[tilespmem:s0+$0x0] =	vst v2  }
0x2c: {  	[tilespmem:s30+$0x0] =	vst v2  }
0x2d: {  	[tilespmem:s0+$0x10] =	vst v2  }
0x2e: {  	[tilespmem:s30+$0x10] =	vst v2  }
0x2f: {  	[tilespmem:s0+$0x20] =	vst v2  }
0x30: {  	[tilespmem:s30+$0x20] =	vst v2  }
0x31: {  	[tilespmem:s0+$0x30] =	vst v2  }
0x32: {  	s1 =	simm.s32 $0x1440;
	s0 =	simm.s32 $0x0;
	[tilespmem:s30+$0x30] =	vst v2  }
.LBB2_2:
0x33: {  	[tilespmem:s1+$0xFFFFFFC0] =	vst v2;
	s30 =	sadd.s32 $0x80, s30  }
0x34: {  	[tilespmem:s30+$0xFFFFFFC0] =	vst v2  }
0x35: {  	[tilespmem:s1+$0xFFFFFFD0] =	vst v2  }
0x36: {  	[tilespmem:s30+$0xFFFFFFD0] =	vst v2  }
0x37: {  	[tilespmem:s1+$0xFFFFFFE0] =	vst v2  }
0x38: {  	[tilespmem:s30+$0xFFFFFFE0] =	vst v2  }
0x39: {  	[tilespmem:s1+$0xFFFFFFF0] =	vst v2  }
0x3a: {  	[tilespmem:s30+$0xFFFFFFF0] =	vst v2  }
0x3b: {  	[tilespmem:s1+$0x0] =	vst v2  }
0x3c: {  	s0 =	sadd.s32 $0x8, s0;
	[tilespmem:s30+$0x0] =	vst v2  }
0x3d: {  	p0 =	slt.u32 s0, $0x268;
	[tilespmem:s1+$0x10] =	vst v2  }
.Ltmp0:
0x3e: {  	[tilespmem:s30+$0x10] =	vst v2;
	(pc) =	sbr.rel @p0 .LBB2_2-.Ltmp0, $4  }
0x3f: {  	[tilespmem:s1+$0x20] =	vst v2  }
0x40: {  	[tilespmem:s30+$0x20] =	vst v2  }
0x41: {  	[tilespmem:s1+$0x30] =	vst v2  }
0x42: {  	s1 =	sadd.s32 $0x80, s1;
	[tilespmem:s30+$0x30] =	vst v2  }
0x43: {  	[tilespmem:$0x3A80] =	vst v2  }
0x44: {  	[tilespmem:$0x6200] =	vst v2  }
0x45: {  	_ =	swait.ge [sflag:s19], $0x640  }
0x46: {  	[sflag:s19] =	ssyncset.done $0x0  }
0x47: {  	[sflag:s19] =	ssyncadd.s32 $0xFFFFF9C0  }
0x48: {  	_ =	swait.ge [sflag:s19], $0x640  }
0x49: {  	[sflag:s19] =	ssyncset.done $0x0  }
0x4a: {  	[sflag:s19] =	ssyncadd.s32 $0xFFFFF9C0  }
0x4b: {  	_ =	swait.ge [sflag:s19], $0x640  }
0x4c: {  	s30 =	simm.s32 $0xFFFFFFFC;
	s31 =	simm.s32 $0xD20;
	[sflag:s19] =	ssyncset.done $0x0  }
0x4d: {  	s1 =	simm.s32 $0x6A0;
	s0 =	simm.s32 $0x20;
	[sflag:s19] =	ssyncadd.s32 $0xFFFFF9C0  }
.LBB2_4:
0x4e: {  	v3 =	vld [tilespmem:s1+$0xFFFFFFE0]  }
0x4f: {  	v4 =	vld [tilespmem:s0+$0xFFFFFFE0];
	_ =	sdelay $0x3  }
0x50: {  	v3 =	vsub.s32 v3, v0  }
0x51: {  	v5 =	vld [tilespmem:s31+$0xFFFFFFE0];
	v4 =	vsub.s32 v4, v0;
	v6 =	vmul.u32 $0x64, v3  }
0x52: {  	v7 =	vmul.u32 $0x64, v4  }
0x53: {  	v4 =	vadd.s32 v4, v6  }
0x54: {  	v3 =	vadd.s32 v3, v7;
	_ =	sdelay $0x1  }
0x55: {  	v54 =	vsub.f32 $0.0e+00, v5;
	_ =	sdelay $0x1  }
0x56: {  	[tilespmem:v4+s20+$0x0] =	vst.idx.msk $0xffff, v54  }
0x57: {  	[tilespmem:v3+s21+$0x0] =	vst.idx.msk $0xffff, v5  }
0x58: {  	v3 =	vld [tilespmem:s1+$0xFFFFFFF0]  }
0x59: {  	v4 =	vld [tilespmem:s0+$0xFFFFFFF0];
	_ =	sdelay $0x3  }
0x5a: {  	v3 =	vsub.s32 v3, v0  }
0x5b: {  	v5 =	vld [tilespmem:s31+$0xFFFFFFF0];
	v4 =	vsub.s32 v4, v0;
	v55 =	vmul.u32 $0x64, v3  }
0x5c: {  	v56 =	vmul.u32 $0x64, v4  }
0x5d: {  	v4 =	vadd.s32 v4, v55  }
0x5e: {  	v3 =	vadd.s32 v3, v56;
	_ =	sdelay $0x1  }
0x5f: {  	v57 =	vsub.f32 $0.0e+00, v5;
	_ =	sdelay $0x1  }
0x60: {  	[tilespmem:v4+s20+$0x0] =	vst.idx.msk $0xffff, v57  }
0x61: {  	[tilespmem:v3+s21+$0x0] =	vst.idx.msk $0xffff, v5  }
0x62: {  	v3 =	vld [tilespmem:s1+$0x0]  }
0x63: {  	v4 =	vld [tilespmem:s0+$0x0];
	_ =	sdelay $0x3  }
0x64: {  	v3 =	vsub.s32 v3, v0  }
0x65: {  	v5 =	vld [tilespmem:s31+$0x0];
	v4 =	vsub.s32 v4, v0;
	v58 =	vmul.u32 $0x64, v3  }
0x66: {  	v59 =	vmul.u32 $0x64, v4  }
0x67: {  	v4 =	vadd.s32 v4, v58  }
0x68: {  	v3 =	vadd.s32 v3, v59;
	_ =	sdelay $0x1  }
0x69: {  	v60 =	vsub.f32 $0.0e+00, v5;
	_ =	sdelay $0x1  }
0x6a: {  	[tilespmem:v4+s20+$0x0] =	vst.idx.msk $0xffff, v60  }
0x6b: {  	[tilespmem:v3+s21+$0x0] =	vst.idx.msk $0xffff, v5  }
0x6c: {  	v3 =	vld [tilespmem:s1+$0x10]  }
0x6d: {  	v4 =	vld [tilespmem:s0+$0x10];
	_ =	sdelay $0x3  }
0x6e: {  	v3 =	vsub.s32 v3, v0  }
0x6f: {  	v5 =	vld [tilespmem:s31+$0x10];
	v4 =	vsub.s32 v4, v0;
	v61 =	vmul.u32 $0x64, v3  }
0x70: {  	v62 =	vmul.u32 $0x64, v4  }
0x71: {  	s30 =	sadd.s32 $0x4, s30;
	v4 =	vadd.s32 v4, v61  }
0x72: {  	p0 =	slt.u32 s30, $0x60;
	v3 =	vadd.s32 v3, v62  }
.Ltmp1:
0x73: {  	_ = 	snop;
	(pc) =	sbr.rel @p0 .LBB2_4-.Ltmp1, $3  }
0x74: {  	v63 =	vsub.f32 $0.0e+00, v5;
	_ =	sdelay $0x1  }
0x75: {  	[tilespmem:v4+s20+$0x0] =	vst.idx.msk $0xffff, v63  }
0x76: {  	s31 =	sadd.s32 $0x40, s31;
	s1 =	sadd.s32 $0x40, s1;
	s0 =	sadd.s32 $0x40, s0;
	[tilespmem:v3+s21+$0x0] =	vst.idx.msk $0xffff, v5  }
0x77: {  	[hbm4b:s9+s22] =	stream.strided.scatter [tilespmem:s20], [sflag:$0x3], $0x2780, s23, s22, $0x38;
	[tilespmem:$0xC500] =	vst v63  }
0x78: {  	s0 =	simm.s32 $0x7640  }
0x79: {  	[hbm4b:s10+s22] =	stream.strided.scatter [tilespmem:s21], [sflag:$0x3], $0x2780, s23, s22, $0x38;
	[tilespmem:$0xC500] =	vst v63  }
0x7a: {  	s1 =	simm.s32 $0x9DC0;
	[tilespmem:s0+$0xFFFFFFC0] =	vst v2  }
0x7b: {  	[tilespmem:s1+$0xFFFFFFC0] =	vst v2  }
0x7c: {  	[tilespmem:s0+$0xFFFFFFD0] =	vst v2  }
0x7d: {  	[tilespmem:s1+$0xFFFFFFD0] =	vst v2  }
0x7e: {  	[tilespmem:s0+$0xFFFFFFE0] =	vst v2  }
0x7f: {  	[tilespmem:s1+$0xFFFFFFE0] =	vst v2  }
0x80: {  	[tilespmem:s0+$0xFFFFFFF0] =	vst v2  }
0x81: {  	[tilespmem:s1+$0xFFFFFFF0] =	vst v2  }
0x82: {  	[tilespmem:s0+$0x0] =	vst v2  }
0x83: {  	[tilespmem:s1+$0x0] =	vst v2  }
0x84: {  	[tilespmem:s0+$0x10] =	vst v2  }
0x85: {  	[tilespmem:s1+$0x10] =	vst v2  }
0x86: {  	[tilespmem:s0+$0x20] =	vst v2  }
0x87: {  	[tilespmem:s1+$0x20] =	vst v2  }
0x88: {  	[tilespmem:s0+$0x30] =	vst v2  }
0x89: {  	s30 =	simm.s32 $0x76C0;
	s0 =	simm.s32 $0x0;
	[tilespmem:s1+$0x30] =	vst v2  }
.LBB2_6:
0x8a: {  	[tilespmem:s30+$0xFFFFFFC0] =	vst v2;
	s1 =	sadd.s32 $0x80, s1  }
0x8b: {  	[tilespmem:s1+$0xFFFFFFC0] =	vst v2  }
0x8c: {  	[tilespmem:s30+$0xFFFFFFD0] =	vst v2  }
0x8d: {  	[tilespmem:s1+$0xFFFFFFD0] =	vst v2  }
0x8e: {  	[tilespmem:s30+$0xFFFFFFE0] =	vst v2  }
0x8f: {  	[tilespmem:s1+$0xFFFFFFE0] =	vst v2  }
0x90: {  	[tilespmem:s30+$0xFFFFFFF0] =	vst v2  }
0x91: {  	[tilespmem:s1+$0xFFFFFFF0] =	vst v2  }
0x92: {  	[tilespmem:s30+$0x0] =	vst v2  }
0x93: {  	s0 =	sadd.s32 $0x8, s0;
	[tilespmem:s1+$0x0] =	vst v2  }
0x94: {  	p0 =	slt.u32 s0, $0x268;
	[tilespmem:s30+$0x10] =	vst v2  }
.Ltmp2:
0x95: {  	[tilespmem:s1+$0x10] =	vst v2;
	(pc) =	sbr.rel @p0 .LBB2_6-.Ltmp2, $4  }
0x96: {  	[tilespmem:s30+$0x20] =	vst v2  }
0x97: {  	[tilespmem:s1+$0x20] =	vst v2  }
0x98: {  	[tilespmem:s30+$0x30] =	vst v2  }
0x99: {  	s30 =	sadd.s32 $0x80, s30;
	[tilespmem:s1+$0x30] =	vst v2  }
0x9a: {  	[tilespmem:$0x9D00] =	vst v2  }
0x9b: {  	[tilespmem:$0xC480] =	vst v2  }
0x9c: {  	_ =	swait.ge [sflag:s24], $0x640  }
0x9d: {  	[sflag:s24] =	ssyncset.done $0x0  }
0x9e: {  	[sflag:s24] =	ssyncadd.s32 $0xFFFFF9C0  }
0x9f: {  	_ =	swait.ge [sflag:s24], $0x640  }
0xa0: {  	[sflag:s24] =	ssyncset.done $0x0  }
0xa1: {  	[sflag:s24] =	ssyncadd.s32 $0xFFFFF9C0  }
0xa2: {  	_ =	swait.ge [sflag:s24], $0x640  }
0xa3: {  	s30 =	simm.s32 $0xFFFFFFFC;
	s31 =	simm.s32 $0x6FA0;
	[sflag:s24] =	ssyncset.done $0x0  }
0xa4: {  	s1 =	simm.s32 $0x6920;
	s0 =	simm.s32 $0x62A0;
	[sflag:s24] =	ssyncadd.s32 $0xFFFFF9C0  }
.LBB2_8:
0xa5: {  	v3 =	vld [tilespmem:s1+$0xFFFFFFE0]  }
0xa6: {  	v4 =	vld [tilespmem:s0+$0xFFFFFFE0];
	_ =	sdelay $0x3  }
0xa7: {  	v3 =	vsub.s32 v3, v1  }
0xa8: {  	v5 =	vld [tilespmem:s31+$0xFFFFFFE0];
	v4 =	vsub.s32 v4, v1;
	v6 =	vmul.u32 $0x64, v3  }
0xa9: {  	v7 =	vmul.u32 $0x64, v4  }
0xaa: {  	v4 =	vadd.s32 v4, v6  }
0xab: {  	v3 =	vadd.s32 v3, v7;
	_ =	sdelay $0x1  }
0xac: {  	v54 =	vsub.f32 $0.0e+00, v5;
	_ =	sdelay $0x1  }
0xad: {  	[tilespmem:v4+s25+$0x0] =	vst.idx.msk $0xffff, v54  }
0xae: {  	[tilespmem:v3+s26+$0x0] =	vst.idx.msk $0xffff, v5  }
0xaf: {  	v3 =	vld [tilespmem:s1+$0xFFFFFFF0]  }
0xb0: {  	v4 =	vld [tilespmem:s0+$0xFFFFFFF0];
	_ =	sdelay $0x3  }
0xb1: {  	v3 =	vsub.s32 v3, v1  }
0xb2: {  	v5 =	vld [tilespmem:s31+$0xFFFFFFF0];
	v4 =	vsub.s32 v4, v1;
	v55 =	vmul.u32 $0x64, v3  }
0xb3: {  	v56 =	vmul.u32 $0x64, v4  }
0xb4: {  	v4 =	vadd.s32 v4, v55  }
0xb5: {  	v3 =	vadd.s32 v3, v56;
	_ =	sdelay $0x1  }
0xb6: {  	v57 =	vsub.f32 $0.0e+00, v5;
	_ =	sdelay $0x1  }
0xb7: {  	[tilespmem:v4+s25+$0x0] =	vst.idx.msk $0xffff, v57  }
0xb8: {  	[tilespmem:v3+s26+$0x0] =	vst.idx.msk $0xffff, v5  }
0xb9: {  	v3 =	vld [tilespmem:s1+$0x0]  }
0xba: {  	v4 =	vld [tilespmem:s0+$0x0];
	_ =	sdelay $0x3  }
0xbb: {  	v3 =	vsub.s32 v3, v1  }
0xbc: {  	v5 =	vld [tilespmem:s31+$0x0];
	v4 =	vsub.s32 v4, v1;
	v58 =	vmul.u32 $0x64, v3  }
0xbd: {  	v59 =	vmul.u32 $0x64, v4  }
0xbe: {  	v4 =	vadd.s32 v4, v58  }
0xbf: {  	v3 =	vadd.s32 v3, v59;
	_ =	sdelay $0x1  }
0xc0: {  	v60 =	vsub.f32 $0.0e+00, v5;
	_ =	sdelay $0x1  }
0xc1: {  	[tilespmem:v4+s25+$0x0] =	vst.idx.msk $0xffff, v60  }
0xc2: {  	[tilespmem:v3+s26+$0x0] =	vst.idx.msk $0xffff, v5  }
0xc3: {  	v3 =	vld [tilespmem:s1+$0x10]  }
0xc4: {  	v4 =	vld [tilespmem:s0+$0x10];
	_ =	sdelay $0x3  }
0xc5: {  	v3 =	vsub.s32 v3, v1  }
0xc6: {  	v5 =	vld [tilespmem:s31+$0x10];
	v4 =	vsub.s32 v4, v1;
	v61 =	vmul.u32 $0x64, v3  }
0xc7: {  	v62 =	vmul.u32 $0x64, v4  }
0xc8: {  	s30 =	sadd.s32 $0x4, s30;
	v4 =	vadd.s32 v4, v61  }
0xc9: {  	p0 =	slt.u32 s30, $0x60;
	v3 =	vadd.s32 v3, v62  }
.Ltmp3:
0xca: {  	_ = 	snop;
	(pc) =	sbr.rel @p0 .LBB2_8-.Ltmp3, $3  }
0xcb: {  	v63 =	vsub.f32 $0.0e+00, v5;
	_ =	sdelay $0x1  }
0xcc: {  	[tilespmem:v4+s25+$0x0] =	vst.idx.msk $0xffff, v63  }
0xcd: {  	s31 =	sadd.s32 $0x40, s31;
	s1 =	sadd.s32 $0x40, s1;
	s0 =	sadd.s32 $0x40, s0;
	[tilespmem:v3+s26+$0x0] =	vst.idx.msk $0xffff, v5  }
0xce: {  	[hbm4b:s11+s22] =	stream.strided.scatter [tilespmem:s25], [sflag:$0x3], $0x2780, s23, s22, $0x38;
	[tilespmem:$0xC500] =	vst v63  }
0xcf: {  	_ = 	snop  }
0xd0: {  	[hbm4b:s12+s22] =	stream.strided.scatter [tilespmem:s26], [sflag:$0x3], $0x2780, s23, s22, $0x38;
	[tilespmem:$0xC500] =	vst v63  }
0xd1: {  	_ =	swait.ge [sflag:s28], $0x2780  }
0xd2: {  	[sflag:s28] =	ssyncset.done $0x0  }
0xd3: {  	[sflag:s28] =	ssyncadd.s32 $0xFFFFD880  }
0xd4: {  	_ =	swait.ge [sflag:s28], $0x2780  }
0xd5: {  	[sflag:s28] =	ssyncset.done $0x0  }
0xd6: {  	s29 =	sadd.s32 $0x1, s29;
	[sflag:s28] =	ssyncadd.s32 $0xFFFFD880  }
0xd7: {  	p0 =	sne.s32 s29, s13;
	_ =	swait.ge [sflag:s28], $0x2780  }
.Ltmp4:
0xd8: {  	[sflag:s28] =	ssyncset.done $0x0;
	(pc) =	sbr.rel @p0 .LBB2_1-.Ltmp4, $4  }
0xd9: {  	[sflag:s28] =	ssyncadd.s32 $0xFFFFD880  }
0xda: {  	_ =	swait.ge [sflag:s28], $0x2780  }
0xdb: {  	[sflag:s28] =	ssyncset.done $0x0  }
0xdc: {  	[sflag:s28] =	ssyncadd.s32 $0xFFFFD880  }
0xdd: {  	_ =	sfence.sel $0x180000  }
0xde: {  	[bflag:$0x0] =	sbarrier.arrive $0xFFFF  }
0xdf: {  	_ =	strace $0x90000047  }
0xe0: {  	s0 =	stileid.u32;
	[bflag:$0x2] =	sbarrier.arrive $0xFFFF  }
0xe1: {  	p0 =	sne.s32 s0, $0x0;
	s0 =	rddreg [dreg:$0x4]  }
0xe2: {  	s0 =	sadd.s32 @!p0 $0x100000, s0  }
0xe3: {  	[sflag:s0] =	ssyncadd.tile.s32 @!p0 $0x1;
	_ =	shalt  }
.Lfunc_end2:
_tile_overlayer_lowered:
.L_overlay_start_2:
0xe4: {  	(tag) =	ssettag $0x2  }
0xe5: {  	s0 =	rddreg [dreg:$0x0];
	s2 =	stileid.u32  }
0xe6: {  	s1 =	rddreg [dreg:$0x1];
	p0 =	sne.s32 s2, $0x0  }
0xe7: {  	s3 =	rddreg [dreg:$0x2];
	[bflag:$0x3] =	sbarrier.arrive $0xFFFF;
	s2 =	simm.s32 @!p0 $0x1C04  }
0xe8: {  	[timem:s3], [sflag:s2] =	dma.local @!p0 [hbm:s0], s1  }
0xe9: {  	s0 =	simm.s32 @!p0 $0x4  }
0xea: {  	_ =	swait.ge @!p0 [sflag:s0], s1  }
0xeb: {  	s1 =	ssub.s32 @!p0 $0x0, s1;
	[sflag:s0] =	ssyncset.done @!p0 $0x0  }
0xec: {  	[sflag:s0] =	ssyncadd.s32 @!p0 s1  }
0xed: {  	[bflag:$0x3] =	sbarrier.arrive $0xFFFF  }
0xee: {  	_ =	shalt  }

</sc_bundles>
